<compile_context>
chip_gen: v7x
topology: tpu7x:2x2x1
jax: 0.10.2.dev20260603
libtpu: 0.0.44.dev20260713+nightly
codegen_flags: <defaults>
</compile_context>

<pallas_src>
import jax
import jax.numpy as jnp
import numpy as np
from jax import lax
from jax.experimental import pallas as pl
from jax.experimental.pallas import tpu as pltpu
from jax.experimental.pallas import tpu_sc as plsc

G = 1000
SIZE = 0.001
DELTAZ = 0.001
COEF_A = 0.0136
COEF_B = 0.038
SQRT12 = np.sqrt(12.0)

LANE = 128
R = 8192
NPAD = R * LANE

NC, NS = 2, 16
NW = NC * NS
GSZ = 128
HALVES = 2
HROWS = R // HALVES
WROWS = HROWS // NW

TSTRIPE = 31256
TPAD = TSTRIPE * NS


def _sc_gather_body(idx_hbm, tab_hbm, out_hbm, idxbuf, gbuf, bounce, shared, sem_g, sem_i):
    sid = lax.axis_index("s")
    wid = sid * NC + lax.axis_index("c")
    rbase = wid * WROWS
    pltpu.async_copy(idx_hbm.at[pl.ds(rbase, WROWS)], idxbuf, sem_i)
    toff = sid * TSTRIPE
    pltpu.sync_copy(tab_hbm.at[pl.ds(toff, TSTRIPE)], bounce)
    pltpu.sync_copy(bounce, shared.at[pl.ds(toff, TSTRIPE)])
    pltpu.make_async_copy(idx_hbm.at[pl.ds(rbase, WROWS)], idxbuf, sem_i).wait()
    plsc.subcore_barrier()

    def fire(k, c):
        pltpu.async_copy(shared.at[idxbuf.at[k]], gbuf.at[k], sem_g)
        return c

    lax.fori_loop(0, WROWS, fire, 0)
    pltpu.make_async_copy(out_hbm.at[pl.ds(rbase, WROWS)], gbuf, sem_g).wait()
    pltpu.sync_copy(gbuf, out_hbm.at[pl.ds(rbase, WROWS)])


def _sc_gather(widx2d, table_packed):
    mesh = plsc.VectorSubcoreMesh(core_axis_name="c", subcore_axis_name="s")
    k = pl.kernel(
        _sc_gather_body,
        out_type=jax.ShapeDtypeStruct((HROWS, GSZ), jnp.int32),
        mesh=mesh,
        scratch_types=[
            pltpu.VMEM((WROWS, GSZ), jnp.int32),
            pltpu.VMEM((WROWS, GSZ), jnp.int32),
            pltpu.VMEM((TSTRIPE,), jnp.int32),
            pltpu.VMEM_SHARED((TPAD,), jnp.int32),
            pltpu.SemaphoreType.DMA,
            pltpu.SemaphoreType.DMA,
        ],
    )
    return k(widx2d, table_packed)


def _voxel_lin(x, y):
    ix = jnp.clip((x / SIZE).astype(jnp.int32), 0, G - 1)
    iy = jnp.clip((y / SIZE).astype(jnp.int32), 0, G - 1)
    return ix * G + iy


def _tc_idx_body(xy_ref, idx_ref):
    lin = _voxel_lin(xy_ref[0], xy_ref[1])
    idx_ref[...] = lin - jnp.where(lin >= TPAD, TPAD, 0)


def _tc_idx(xyT, half):
    BR = 1024
    off = half * (HROWS // BR)
    return pl.pallas_call(
        _tc_idx_body,
        grid=(HROWS // BR,),
        in_specs=[pl.BlockSpec((2, BR, LANE), lambda i: (0, i + off, 0))],
        out_specs=pl.BlockSpec((BR, LANE), lambda i: (i, 0)),
        out_shape=jax.ShapeDtypeStruct((HROWS, LANE), jnp.int32),
        compiler_params=pltpu.CompilerParams(
            dimension_semantics=("arbitrary",),
        ),
    )(xyT)


def _tc_physics_body(xy_ref, tt_ref, z1_ref, z2_ref, mom_ref, w_ref, out_ref):
    x = xy_ref[0]
    y = xy_ref[1]
    mask = (x >= 0.0) & (x < 1.0) & (y >= 0.0) & (y < 1.0)
    lin = _voxel_lin(x, y)
    sh = jnp.where(lin >= TPAD, 16, 0)
    bits = lax.shift_left(lax.shift_right_arithmetic(w_ref[...], sh), 16)
    x0 = lax.bitcast_convert_type(bits, jnp.float32)
    mom = mom_ref[...]
    a_over_p = COEF_A / mom
    for c in (0, 1):
        t = tt_ref[c]
        z1 = z1_ref[c]
        z2 = z2_ref[c]
        cos_t = jnp.cos(t)
        flight = DELTAZ / cos_t
        n_x0 = flight / x0
        theta0 = a_over_p * jnp.sqrt(n_x0)
        theta0 = theta0 * (1.0 + COEF_B * jnp.log(n_x0))
        dtheta = z1 * theta0
        dxy = flight * jnp.sin(theta0) * (z1 / SQRT12 + z2 / 2.0)
        dxy_vol = dxy * cos_t
        out_ref[c] = jnp.where(mask, dtheta, 0.0)
        out_ref[c + 2] = jnp.where(mask, dxy_vol, 0.0)


def _tc_physics(xyT, ttT, z1T, z2T, momp, words, half):
    BR = 512
    grid = (HROWS // BR,)
    off = half * (HROWS // BR)
    pair = pl.BlockSpec((2, BR, LANE), lambda i: (0, i + off, 0))
    single = pl.BlockSpec((BR, LANE), lambda i: (i + off, 0))
    wspec = pl.BlockSpec((BR, LANE), lambda i: (i, 0))
    return pl.pallas_call(
        _tc_physics_body,
        grid=grid,
        in_specs=[pair, pair, pair, pair, single, wspec],
        out_specs=pl.BlockSpec((4, BR, LANE), lambda i: (0, i, 0)),
        out_shape=jax.ShapeDtypeStruct((4, HROWS, LANE), jnp.float32),
        compiler_params=pltpu.CompilerParams(
            dimension_semantics=("arbitrary",),
        ),
    )(xyT, ttT, z1T, z2T, momp, words)


def _pack_table(rad_length):
    t = jnp.pad(rad_length.reshape(G * G), (0, 2 * TPAD - G * G))
    u = lax.bitcast_convert_type(t, jnp.int32)
    one = jnp.int32(1)
    rnd = u + jnp.int32(0x7FFF) + jnp.bitwise_and(lax.shift_right_logical(u, 16), one)
    hi16 = jnp.bitwise_and(rnd, jnp.int32(-65536))
    lo = lax.shift_right_logical(hi16[:TPAD], 16)
    return jnp.bitwise_or(lo, hi16[TPAD:])


def kernel(xy, theta_xy, mom, z1, z2, rad_length):
    n = xy.shape[0]
    pad = NPAD - n

    def prep_pair(a):
        return jnp.pad(a, ((0, pad), (0, 0))).T.reshape(2, R, LANE)

    xyT = prep_pair(xy)
    ttT = prep_pair(theta_xy)
    z1T = prep_pair(z1)
    z2T = prep_pair(z2)
    momp = jnp.pad(mom, (0, pad)).reshape(R, LANE)

    table = _pack_table(rad_length)

    nh = NPAD // HALVES
    parts = []
    for h in range(HALVES):
        words = _sc_gather(_tc_idx(xyT, h), table)
        out4 = _tc_physics(xyT, ttT, z1T, z2T, momp, words, h)
        lo = h * nh
        take = min(max(n - lo, 0), nh)
        parts.append(out4.reshape(4, nh)[:, :take].T)
    return jnp.concatenate(parts, axis=0)

# --- scband reference (transcript-rebuilt; emitter-appended) ---
"""Pipeline reference for scband-layer-42417097015598 (READ-ONLY COPY).

The authoritative reference and input builder live on the scoring server;
editing this copy changes nothing except your own understanding.
"""

import jax, jax.numpy as jnp
import numpy as np

N = 1000000          # number of muons
G = 1000             # grid cells per axis: lw / size = 1.0 / 0.001
SIZE = 0.001         # voxel size (init kwarg)
LW_X, LW_Y = 1.0, 1.0  # layer width (init kwarg lw)
DELTAZ = 0.001       # layer depth traversed
SCATTER_COEF_A = 0.0136  # 13.6 MeV in GeV
SCATTER_COEF_B = 0.038


def setup_inputs(seed: int = 0) -> dict:
    key = jax.random.key(seed)
    ks = jax.random.split(key, 6)
    xy = jax.random.uniform(ks[0], (N, 2), dtype=jnp.float32, minval=0.0, maxval=1.0)
    theta_xy = jax.random.uniform(ks[1], (N, 2), dtype=jnp.float32, minval=-0.5, maxval=0.5)
    mom = jax.random.uniform(ks[2], (N,), dtype=jnp.float32, minval=0.5, maxval=10.0)
    z1 = jax.random.normal(ks[3], (N, 2), dtype=jnp.float32)
    z2 = jax.random.normal(ks[4], (N, 2), dtype=jnp.float32)
    # learned/stored parameter: radiation-length lookup table over the xy voxel grid
    rad_length = jax.random.uniform(ks[5], (G, G), dtype=jnp.float32, minval=0.05, maxval=1.0)
    return {"xy": xy, "theta_xy": theta_xy, "mom": mom, "z1": z1, "z2": z2, "rad_length": rad_length}


def reference(xy, theta_xy, mom, z1, z2, rad_length):
    # mask: muons inside (0,0)-(lw) bounds (mu.get_xy_mask)
    lw = jnp.array([LW_X, LW_Y], dtype=jnp.float32)
    mask = jnp.all((xy >= 0.0) & (xy < lw), axis=1)
    # abs2idx: floor(xy / size) -> 2D table lookup (embedding-style gather)
    idx = jnp.clip(jnp.floor(xy / SIZE).astype(jnp.int32), 0, G - 1)
    x0 = rad_length[idx[:, 0], idx[:, 1]][:, None]  # [N,1]
    # _pdg_scatter
    flight = DELTAZ / jnp.cos(theta_xy)  # [N,2]
    n_x0 = flight / x0                   # [N,2]
    theta0 = (SCATTER_COEF_A / mom[:, None]) * jnp.sqrt(n_x0)
    theta0 = theta0 * (1.0 + SCATTER_COEF_B * jnp.log(n_x0))  # log_term=True
    dtheta_xy_mu = z1 * theta0
    dxy_mu = flight * jnp.sin(theta0) * (z1 / np.sqrt(12.0) + z2 / 2.0)
    dxy_vol = dxy_mu * jnp.cos(theta_xy)
    # [dtheta_vol, dphi_vol, dx_vol, dy_vol]; scattering only applied to masked muons
    out = jnp.stack([dtheta_xy_mu[:, 0], dtheta_xy_mu[:, 1], dxy_vol[:, 0], dxy_vol[:, 1]], axis=1)
    out = jnp.where(mask[:, None], out, 0.0)
    return out

if __name__ == "__main__":
    import jax
    _d = setup_inputs()
    print(jax.jit(kernel)(*tuple(_d.values())))

</pallas_src>

<mosaic_0001>
#map = affine_map<(d0, d1) -> (0, 0)>
#map1 = affine_map<(d0, d1) -> (0)>
module attributes {stable_mosaic.version = 14 : i64} {
  func.func @_sc_gather_body(%arg0: i32, %arg1: i32, %arg2: memref<4096x128xi32, #tpu.memory_space<hbm>>, %arg3: memref<500096xi32, #tpu.memory_space<hbm>>, %arg4: memref<4096x128xi32, #tpu.memory_space<hbm>>, %arg5: memref<128x128xi32, #tpu.memory_space<vmem>>, %arg6: memref<128x128xi32, #tpu.memory_space<vmem>>, %arg7: memref<31256xi32, #tpu.memory_space<vmem>>, %arg8: memref<500096xi32, #tpu.memory_space<vmem_shared>>, %arg9: memref<!tpu.dma_semaphore, #tpu.memory_space<semaphore_mem>>, %arg10: memref<!tpu.dma_semaphore, #tpu.memory_space<semaphore_mem>>) attributes {dimension_semantics = [#tpu.dimension_semantics<core_parallel>, #tpu.dimension_semantics<subcore_parallel>], iteration_bounds = array<i64: 2, 16>, scalar_prefetch = 0 : i64, scratch_operands = 6 : i64, tpu.core_type = #tpu.core_type<sc_vector_subcore>, window_params = [{transform_indices = #map}, {transform_indices = #map1}, {transform_indices = #map}]} {
    %mul3A = arith.constant 2 : i32
    %mul3A_0 = arith.muli %arg1, %mul3A : i32
    %add3A = arith.addi %mul3A_0, %arg0 : i32
    %mul3A_1 = arith.constant 128 : i32
    %mul3A_2 = arith.muli %add3A, %mul3A_1 : i32
    %dma_start3A = arith.constant 0 : i32
    %dma_start3A_3 = tpu.memref_slice %arg2[%mul3A_2, %dma_start3A] : memref<4096x128xi32, #tpu.memory_space<hbm>> -> memref<128x128xi32, #tpu.memory_space<hbm>>
    %dma_start3A_4 = arith.constant 0 : i32
    %dma_start3A_5 = tpu.memref_slice %arg2[%mul3A_2, %dma_start3A_4] : memref<4096x128xi32, #tpu.memory_space<hbm>> -> memref<128x128xi32, #tpu.memory_space<hbm>>
    tpu.enqueue_dma source(%dma_start3A_5 : memref<128x128xi32, #tpu.memory_space<hbm>>) target(%arg5 : memref<128x128xi32, #tpu.memory_space<vmem>>) target_semaphore(%arg10 : memref<!tpu.dma_semaphore, #tpu.memory_space<semaphore_mem>>)
    %mul3A_6 = arith.constant 31256 : i32
    %mul3A_7 = arith.muli %arg1, %mul3A_6 : i32
    "tpu.region"() ({
      %run_scoped3A = tpu.sem_alloc : memref<!tpu.dma_semaphore, #tpu.memory_space<semaphore_mem>>
      %dma_start3A_20 = tpu.memref_slice %arg3[%mul3A_7] : memref<500096xi32, #tpu.memory_space<hbm>> -> memref<31256xi32, #tpu.memory_space<hbm>>
      %dma_start3A_21 = tpu.memref_slice %arg3[%mul3A_7] : memref<500096xi32, #tpu.memory_space<hbm>> -> memref<31256xi32, #tpu.memory_space<hbm>>
      tpu.enqueue_dma source(%dma_start3A_21 : memref<31256xi32, #tpu.memory_space<hbm>>) target(%arg7 : memref<31256xi32, #tpu.memory_space<vmem>>) target_semaphore(%run_scoped3A : memref<!tpu.dma_semaphore, #tpu.memory_space<semaphore_mem>>)
      %dma_wait3A_22 = tpu.memref_slice %arg3[%mul3A_7] : memref<500096xi32, #tpu.memory_space<hbm>> -> memref<31256xi32, #tpu.memory_space<hbm>>
      %dma_wait3A_23 = tpu.memref_slice %arg3[%mul3A_7] : memref<500096xi32, #tpu.memory_space<hbm>> -> memref<31256xi32, #tpu.memory_space<hbm>>
      tpu.wait_dma2 semaphore(%run_scoped3A : memref<!tpu.dma_semaphore, #tpu.memory_space<semaphore_mem>>) src(%dma_wait3A_23 : memref<31256xi32, #tpu.memory_space<hbm>>) dst(%arg7 : memref<31256xi32, #tpu.memory_space<vmem>>)
      tpu.yield
    }) : () -> ()
    "tpu.region"() ({
      %run_scoped3A = tpu.sem_alloc : memref<!tpu.dma_semaphore, #tpu.memory_space<semaphore_mem>>
      %dma_start3A_20 = tpu.memref_slice %arg8[%mul3A_7] : memref<500096xi32, #tpu.memory_space<vmem_shared>> -> memref<31256xi32, #tpu.memory_space<vmem_shared>>
      %dma_start3A_21 = tpu.memref_slice %arg8[%mul3A_7] : memref<500096xi32, #tpu.memory_space<vmem_shared>> -> memref<31256xi32, #tpu.memory_space<vmem_shared>>
      tpu.enqueue_dma source(%arg7 : memref<31256xi32, #tpu.memory_space<vmem>>) target(%dma_start3A_21 : memref<31256xi32, #tpu.memory_space<vmem_shared>>) target_semaphore(%run_scoped3A : memref<!tpu.dma_semaphore, #tpu.memory_space<semaphore_mem>>)
      %dma_wait3A_22 = tpu.memref_slice %arg8[%mul3A_7] : memref<500096xi32, #tpu.memory_space<vmem_shared>> -> memref<31256xi32, #tpu.memory_space<vmem_shared>>
      %dma_wait3A_23 = tpu.memref_slice %arg8[%mul3A_7] : memref<500096xi32, #tpu.memory_space<vmem_shared>> -> memref<31256xi32, #tpu.memory_space<vmem_shared>>
      tpu.wait_dma2 semaphore(%run_scoped3A : memref<!tpu.dma_semaphore, #tpu.memory_space<semaphore_mem>>) src(%arg7 : memref<31256xi32, #tpu.memory_space<vmem>>) dst(%dma_wait3A_23 : memref<31256xi32, #tpu.memory_space<vmem_shared>>)
      tpu.yield
    }) : () -> ()
    %dma_wait3A = arith.constant 0 : i32
    %dma_wait3A_8 = tpu.memref_slice %arg2[%mul3A_2, %dma_wait3A] : memref<4096x128xi32, #tpu.memory_space<hbm>> -> memref<128x128xi32, #tpu.memory_space<hbm>>
    %dma_wait3A_9 = arith.constant 0 : i32
    %dma_wait3A_10 = tpu.memref_slice %arg2[%mul3A_2, %dma_wait3A_9] : memref<4096x128xi32, #tpu.memory_space<hbm>> -> memref<128x128xi32, #tpu.memory_space<hbm>>
    tpu.wait_dma2 semaphore(%arg10 : memref<!tpu.dma_semaphore, #tpu.memory_space<semaphore_mem>>) src(%dma_wait3A_10 : memref<128x128xi32, #tpu.memory_space<hbm>>) dst(%arg5 : memref<128x128xi32, #tpu.memory_space<vmem>>)
    %barrier3A = arith.constant 0 : index
    tpu.barrier barrier_id(%barrier3A)
    %scan3A = arith.constant 0 : i32
    %scan3A_11 = arith.constant 0 : i32
    %scan3A_12 = arith.constant 128 : i32
    %scan3A_13 = arith.addi %scan3A_11, %scan3A_12 : i32
    %scan3A_14 = arith.constant 1 : i32
    scf.for %scan3A_20 = %scan3A_11 to %scan3A_13 step %scan3A_14  : i32 {
      %dma_start3A_21 = arith.constant 0 : i32
      %dma_start3A_22 = tpu.memref_slice %arg6[%scan3A_20, %dma_start3A_21] : memref<128x128xi32, #tpu.memory_space<vmem>> -> memref<1x128xi32, #tpu.memory_space<vmem>>
      %dma_start3A_23 = tpu.memref_squeeze %dma_start3A_22 : memref<1x128xi32, #tpu.memory_space<vmem>> -> memref<128xi32, #tpu.memory_space<vmem>>
      %dma_start3A_24 = arith.constant 0 : i32
      %dma_start3A_25 = tpu.memref_slice %arg5[%scan3A_20, %dma_start3A_24] : memref<128x128xi32, #tpu.memory_space<vmem>> -> memref<1x128xi32, #tpu.memory_space<vmem>>
      %dma_start3A_26 = tpu.memref_squeeze %dma_start3A_25 : memref<1x128xi32, #tpu.memory_space<vmem>> -> memref<128xi32, #tpu.memory_space<vmem>>
      %dma_start3A_27 = arith.constant 0 : i32
      %dma_start3A_28 = tpu.memref_slice %arg8[%dma_start3A_27] : memref<500096xi32, #tpu.memory_space<vmem_shared>> -> memref<500096xi32, #tpu.memory_space<vmem_shared>>
      tpu.enqueue_indirect_dma source(%dma_start3A_28 : memref<500096xi32, #tpu.memory_space<vmem_shared>>) target(%dma_start3A_23 : memref<128xi32, #tpu.memory_space<vmem>>) offsets(%dma_start3A_26 : memref<128xi32, #tpu.memory_space<vmem>>) semaphore(%arg9 : memref<!tpu.dma_semaphore, #tpu.memory_space<semaphore_mem>>)
    }
    %scan3A_15 = arith.constant 128 : i32
    %dma_wait3A_16 = arith.constant 0 : i32
    %dma_wait3A_17 = tpu.memref_slice %arg4[%mul3A_2, %dma_wait3A_16] : memref<4096x128xi32, #tpu.memory_space<hbm>> -> memref<128x128xi32, #tpu.memory_space<hbm>>
    %dma_wait3A_18 = arith.constant 0 : i32
    %dma_wait3A_19 = tpu.memref_slice %arg4[%mul3A_2, %dma_wait3A_18] : memref<4096x128xi32, #tpu.memory_space<hbm>> -> memref<128x128xi32, #tpu.memory_space<hbm>>
    tpu.wait_dma2 semaphore(%arg9 : memref<!tpu.dma_semaphore, #tpu.memory_space<semaphore_mem>>) src(%dma_wait3A_19 : memref<128x128xi32, #tpu.memory_space<hbm>>) dst(%arg6 : memref<128x128xi32, #tpu.memory_space<vmem>>)
    "tpu.region"() ({
      %run_scoped3A = tpu.sem_alloc : memref<!tpu.dma_semaphore, #tpu.memory_space<semaphore_mem>>
      %dma_start3A_20 = arith.constant 0 : i32
      %dma_start3A_21 = tpu.memref_slice %arg4[%mul3A_2, %dma_start3A_20] : memref<4096x128xi32, #tpu.memory_space<hbm>> -> memref<128x128xi32, #tpu.memory_space<hbm>>
      %dma_start3A_22 = arith.constant 0 : i32
      %dma_start3A_23 = tpu.memref_slice %arg4[%mul3A_2, %dma_start3A_22] : memref<4096x128xi32, #tpu.memory_space<hbm>> -> memref<128x128xi32, #tpu.memory_space<hbm>>
      tpu.enqueue_dma source(%arg6 : memref<128x128xi32, #tpu.memory_space<vmem>>) target(%dma_start3A_23 : memref<128x128xi32, #tpu.memory_space<hbm>>) target_semaphore(%run_scoped3A : memref<!tpu.dma_semaphore, #tpu.memory_space<semaphore_mem>>)
      %dma_wait3A_24 = arith.constant 0 : i32
      %dma_wait3A_25 = tpu.memref_slice %arg4[%mul3A_2, %dma_wait3A_24] : memref<4096x128xi32, #tpu.memory_space<hbm>> -> memref<128x128xi32, #tpu.memory_space<hbm>>
      %dma_wait3A_26 = arith.constant 0 : i32
      %dma_wait3A_27 = tpu.memref_slice %arg4[%mul3A_2, %dma_wait3A_26] : memref<4096x128xi32, #tpu.memory_space<hbm>> -> memref<128x128xi32, #tpu.memory_space<hbm>>
      tpu.wait_dma2 semaphore(%run_scoped3A : memref<!tpu.dma_semaphore, #tpu.memory_space<semaphore_mem>>) src(%arg6 : memref<128x128xi32, #tpu.memory_space<vmem>>) dst(%dma_wait3A_27 : memref<128x128xi32, #tpu.memory_space<hbm>>)
      tpu.yield
    }) : () -> ()
    return
  }
}

#map = affine_map<(d0, d1) -> (0, 0)>
#map1 = affine_map<(d0, d1) -> (0)>
module attributes {stable_mosaic.version = 14 : i64} {
  func.func @_sc_gather_body(%arg0: i32, %arg1: i32, %arg2: memref<4096x128xi32, #tpu.memory_space<hbm>>, %arg3: memref<500096xi32, #tpu.memory_space<hbm>>, %arg4: memref<4096x128xi32, #tpu.memory_space<hbm>>, %arg5: memref<128x128xi32, #tpu.memory_space<vmem>>, %arg6: memref<128x128xi32, #tpu.memory_space<vmem>>, %arg7: memref<31256xi32, #tpu.memory_space<vmem>>, %arg8: memref<500096xi32, #tpu.memory_space<vmem_shared>>, %arg9: memref<!tpu.dma_semaphore, #tpu.memory_space<semaphore_mem>>, %arg10: memref<!tpu.dma_semaphore, #tpu.memory_space<semaphore_mem>>) attributes {dimension_semantics = [#tpu.dimension_semantics<core_parallel>, #tpu.dimension_semantics<subcore_parallel>], iteration_bounds = array<i64: 2, 16>, scalar_prefetch = 0 : i64, scratch_operands = 6 : i64, tpu.core_type = #tpu.core_type<sc_vector_subcore>, window_params = [{transform_indices = #map}, {transform_indices = #map1}, {transform_indices = #map}]} {
    %mul3A = arith.constant 2 : i32
    %mul3A_0 = arith.muli %arg1, %mul3A : i32
    %add3A = arith.addi %mul3A_0, %arg0 : i32
    %mul3A_1 = arith.constant 128 : i32
    %mul3A_2 = arith.muli %add3A, %mul3A_1 : i32
    %dma_start3A = arith.constant 0 : i32
    %dma_start3A_3 = tpu.memref_slice %arg2[%mul3A_2, %dma_start3A] : memref<4096x128xi32, #tpu.memory_space<hbm>> -> memref<128x128xi32, #tpu.memory_space<hbm>>
    %dma_start3A_4 = arith.constant 0 : i32
    %dma_start3A_5 = tpu.memref_slice %arg2[%mul3A_2, %dma_start3A_4] : memref<4096x128xi32, #tpu.memory_space<hbm>> -> memref<128x128xi32, #tpu.memory_space<hbm>>
    tpu.enqueue_dma source(%dma_start3A_5 : memref<128x128xi32, #tpu.memory_space<hbm>>) target(%arg5 : memref<128x128xi32, #tpu.memory_space<vmem>>) target_semaphore(%arg10 : memref<!tpu.dma_semaphore, #tpu.memory_space<semaphore_mem>>)
    %mul3A_6 = arith.constant 31256 : i32
    %mul3A_7 = arith.muli %arg1, %mul3A_6 : i32
    "tpu.region"() ({
      %run_scoped3A = tpu.sem_alloc : memref<!tpu.dma_semaphore, #tpu.memory_space<semaphore_mem>>
      %dma_start3A_20 = tpu.memref_slice %arg3[%mul3A_7] : memref<500096xi32, #tpu.memory_space<hbm>> -> memref<31256xi32, #tpu.memory_space<hbm>>
      %dma_start3A_21 = tpu.memref_slice %arg3[%mul3A_7] : memref<500096xi32, #tpu.memory_space<hbm>> -> memref<31256xi32, #tpu.memory_space<hbm>>
      tpu.enqueue_dma source(%dma_start3A_21 : memref<31256xi32, #tpu.memory_space<hbm>>) target(%arg7 : memref<31256xi32, #tpu.memory_space<vmem>>) target_semaphore(%run_scoped3A : memref<!tpu.dma_semaphore, #tpu.memory_space<semaphore_mem>>)
      %dma_wait3A_22 = tpu.memref_slice %arg3[%mul3A_7] : memref<500096xi32, #tpu.memory_space<hbm>> -> memref<31256xi32, #tpu.memory_space<hbm>>
      %dma_wait3A_23 = tpu.memref_slice %arg3[%mul3A_7] : memref<500096xi32, #tpu.memory_space<hbm>> -> memref<31256xi32, #tpu.memory_space<hbm>>
      tpu.wait_dma2 semaphore(%run_scoped3A : memref<!tpu.dma_semaphore, #tpu.memory_space<semaphore_mem>>) src(%dma_wait3A_23 : memref<31256xi32, #tpu.memory_space<hbm>>) dst(%arg7 : memref<31256xi32, #tpu.memory_space<vmem>>)
      tpu.yield
    }) : () -> ()
    "tpu.region"() ({
      %run_scoped3A = tpu.sem_alloc : memref<!tpu.dma_semaphore, #tpu.memory_space<semaphore_mem>>
      %dma_start3A_20 = tpu.memref_slice %arg8[%mul3A_7] : memref<500096xi32, #tpu.memory_space<vmem_shared>> -> memref<31256xi32, #tpu.memory_space<vmem_shared>>
      %dma_start3A_21 = tpu.memref_slice %arg8[%mul3A_7] : memref<500096xi32, #tpu.memory_space<vmem_shared>> -> memref<31256xi32, #tpu.memory_space<vmem_shared>>
      tpu.enqueue_dma source(%arg7 : memref<31256xi32, #tpu.memory_space<vmem>>) target(%dma_start3A_21 : memref<31256xi32, #tpu.memory_space<vmem_shared>>) target_semaphore(%run_scoped3A : memref<!tpu.dma_semaphore, #tpu.memory_space<semaphore_mem>>)
      %dma_wait3A_22 = tpu.memref_slice %arg8[%mul3A_7] : memref<500096xi32, #tpu.memory_space<vmem_shared>> -> memref<31256xi32, #tpu.memory_space<vmem_shared>>
      %dma_wait3A_23 = tpu.memref_slice %arg8[%mul3A_7] : memref<500096xi32, #tpu.memory_space<vmem_shared>> -> memref<31256xi32, #tpu.memory_space<vmem_shared>>
      tpu.wait_dma2 semaphore(%run_scoped3A : memref<!tpu.dma_semaphore, #tpu.memory_space<semaphore_mem>>) src(%arg7 : memref<31256xi32, #tpu.memory_space<vmem>>) dst(%dma_wait3A_23 : memref<31256xi32, #tpu.memory_space<vmem_shared>>)
      tpu.yield
    }) : () -> ()
    %dma_wait3A = arith.constant 0 : i32
    %dma_wait3A_8 = tpu.memref_slice %arg2[%mul3A_2, %dma_wait3A] : memref<4096x128xi32, #tpu.memory_space<hbm>> -> memref<128x128xi32, #tpu.memory_space<hbm>>
    %dma_wait3A_9 = arith.constant 0 : i32
    %dma_wait3A_10 = tpu.memref_slice %arg2[%mul3A_2, %dma_wait3A_9] : memref<4096x128xi32, #tpu.memory_space<hbm>> -> memref<128x128xi32, #tpu.memory_space<hbm>>
    tpu.wait_dma2 semaphore(%arg10 : memref<!tpu.dma_semaphore, #tpu.memory_space<semaphore_mem>>) src(%dma_wait3A_10 : memref<128x128xi32, #tpu.memory_space<hbm>>) dst(%arg5 : memref<128x128xi32, #tpu.memory_space<vmem>>)
    %barrier3A = arith.constant 0 : index
    tpu.barrier barrier_id(%barrier3A)
    %scan3A = arith.constant 0 : i32
    %scan3A_11 = arith.constant 0 : i32
    %scan3A_12 = arith.constant 128 : i32
    %scan3A_13 = arith.addi %scan3A_11, %scan3A_12 : i32
    %scan3A_14 = arith.constant 1 : i32
    scf.for %scan3A_20 = %scan3A_11 to %scan3A_13 step %scan3A_14  : i32 {
      %dma_start3A_21 = arith.constant 0 : i32
      %dma_start3A_22 = tpu.memref_slice %arg6[%scan3A_20, %dma_start3A_21] : memref<128x128xi32, #tpu.memory_space<vmem>> -> memref<1x128xi32, #tpu.memory_space<vmem>>
      %dma_start3A_23 = tpu.memref_squeeze %dma_start3A_22 : memref<1x128xi32, #tpu.memory_space<vmem>> -> memref<128xi32, #tpu.memory_space<vmem>>
      %dma_start3A_24 = arith.constant 0 : i32
      %dma_start3A_25 = tpu.memref_slice %arg5[%scan3A_20, %dma_start3A_24] : memref<128x128xi32, #tpu.memory_space<vmem>> -> memref<1x128xi32, #tpu.memory_space<vmem>>
      %dma_start3A_26 = tpu.memref_squeeze %dma_start3A_25 : memref<1x128xi32, #tpu.memory_space<vmem>> -> memref<128xi32, #tpu.memory_space<vmem>>
      %dma_start3A_27 = arith.constant 0 : i32
      %dma_start3A_28 = tpu.memref_slice %arg8[%dma_start3A_27] : memref<500096xi32, #tpu.memory_space<vmem_shared>> -> memref<500096xi32, #tpu.memory_space<vmem_shared>>
      tpu.enqueue_indirect_dma source(%dma_start3A_28 : memref<500096xi32, #tpu.memory_space<vmem_shared>>) target(%dma_start3A_23 : memref<128xi32, #tpu.memory_space<vmem>>) offsets(%dma_start3A_26 : memref<128xi32, #tpu.memory_space<vmem>>) semaphore(%arg9 : memref<!tpu.dma_semaphore, #tpu.memory_space<semaphore_mem>>)
    }
    %scan3A_15 = arith.constant 128 : i32
    %dma_wait3A_16 = arith.constant 0 : i32
    %dma_wait3A_17 = tpu.memref_slice %arg4[%mul3A_2, %dma_wait3A_16] : memref<4096x128xi32, #tpu.memory_space<hbm>> -> memref<128x128xi32, #tpu.memory_space<hbm>>
    %dma_wait3A_18 = arith.constant 0 : i32
    %dma_wait3A_19 = tpu.memref_slice %arg4[%mul3A_2, %dma_wait3A_18] : memref<4096x128xi32, #tpu.memory_space<hbm>> -> memref<128x128xi32, #tpu.memory_space<hbm>>
    tpu.wait_dma2 semaphore(%arg9 : memref<!tpu.dma_semaphore, #tpu.memory_space<semaphore_mem>>) src(%dma_wait3A_19 : memref<128x128xi32, #tpu.memory_space<hbm>>) dst(%arg6 : memref<128x128xi32, #tpu.memory_space<vmem>>)
    "tpu.region"() ({
      %run_scoped3A = tpu.sem_alloc : memref<!tpu.dma_semaphore, #tpu.memory_space<semaphore_mem>>
      %dma_start3A_20 = arith.constant 0 : i32
      %dma_start3A_21 = tpu.memref_slice %arg4[%mul3A_2, %dma_start3A_20] : memref<4096x128xi32, #tpu.memory_space<hbm>> -> memref<128x128xi32, #tpu.memory_space<hbm>>
      %dma_start3A_22 = arith.constant 0 : i32
      %dma_start3A_23 = tpu.memref_slice %arg4[%mul3A_2, %dma_start3A_22] : memref<4096x128xi32, #tpu.memory_space<hbm>> -> memref<128x128xi32, #tpu.memory_space<hbm>>
      tpu.enqueue_dma source(%arg6 : memref<128x128xi32, #tpu.memory_space<vmem>>) target(%dma_start3A_23 : memref<128x128xi32, #tpu.memory_space<hbm>>) target_semaphore(%run_scoped3A : memref<!tpu.dma_semaphore, #tpu.memory_space<semaphore_mem>>)
      %dma_wait3A_24 = arith.constant 0 : i32
      %dma_wait3A_25 = tpu.memref_slice %arg4[%mul3A_2, %dma_wait3A_24] : memref<4096x128xi32, #tpu.memory_space<hbm>> -> memref<128x128xi32, #tpu.memory_space<hbm>>
      %dma_wait3A_26 = arith.constant 0 : i32
      %dma_wait3A_27 = tpu.memref_slice %arg4[%mul3A_2, %dma_wait3A_26] : memref<4096x128xi32, #tpu.memory_space<hbm>> -> memref<128x128xi32, #tpu.memory_space<hbm>>
      tpu.wait_dma2 semaphore(%run_scoped3A : memref<!tpu.dma_semaphore, #tpu.memory_space<semaphore_mem>>) src(%arg6 : memref<128x128xi32, #tpu.memory_space<vmem>>) dst(%dma_wait3A_27 : memref<128x128xi32, #tpu.memory_space<hbm>>)
      tpu.yield
    }) : () -> ()
    return
  }
}

module attributes {stable_mosaic.version = 14 : i64} {
  func.func @_tc_idx_body(%arg0: i32, %arg1: memref<2x1024x128xf32, #tpu.memory_space<vmem>>, %arg2: memref<1024x128xi32, #tpu.memory_space<vmem>>) attributes {dimension_semantics = [#tpu.dimension_semantics<arbitrary>], iteration_bounds = array<i64: 4>, scalar_prefetch = 0 : i64, scratch_operands = 0 : i64, tpu.core_type = #tpu.core_type<tc>, window_params = [{transform_indices = @transform_0, window_bounds = array<i64: 2, 1024, 128>}, {transform_indices = @transform_1, window_bounds = array<i64: 1024, 128>}]} {
    %get3A = arith.constant 0 : index
    %get3A_0 = arith.constant 0 : index
    %get3A_1 = arith.constant 0 : index
    %get3A_2 = vector.load %arg1[%get3A, %get3A_0, %get3A_1] : memref<2x1024x128xf32, #tpu.memory_space<vmem>>, vector<1x1024x128xf32>
    %get3A_3 = vector.shape_cast %get3A_2 : vector<1x1024x128xf32> to vector<1024x128xf32>
    %get3A_4 = arith.constant 1 : index
    %get3A_5 = arith.constant 0 : index
    %get3A_6 = arith.constant 0 : index
    %get3A_7 = vector.load %arg1[%get3A_4, %get3A_5, %get3A_6] : memref<2x1024x128xf32, #tpu.memory_space<vmem>>, vector<1x1024x128xf32>
    %get3A_8 = vector.shape_cast %get3A_7 : vector<1x1024x128xf32> to vector<1024x128xf32>
    %div3A = arith.constant 1.000000e-03 : f32
    %div3A_9 = vector.broadcast %div3A : f32 to vector<1024x128xf32>
    %div3A_10 = arith.divf %get3A_3, %div3A_9 : vector<1024x128xf32>
    %convert_element_type3A = arith.fptosi %div3A_10 : vector<1024x128xf32> to vector<1024x128xi32>
    %jit3A = arith.constant 0 : i32
    %jit3A_11 = arith.constant 999 : i32
    %max3A = vector.broadcast %jit3A : i32 to vector<1024x128xi32>
    %max3A_12 = arith.maxsi %max3A, %convert_element_type3A : vector<1024x128xi32>
    %min3A = vector.broadcast %jit3A_11 : i32 to vector<1024x128xi32>
    %min3A_13 = arith.minsi %min3A, %max3A_12 : vector<1024x128xi32>
    %div3A_14 = arith.constant 1.000000e-03 : f32
    %div3A_15 = vector.broadcast %div3A_14 : f32 to vector<1024x128xf32>
    %div3A_16 = arith.divf %get3A_8, %div3A_15 : vector<1024x128xf32>
    %convert_element_type3A_17 = arith.fptosi %div3A_16 : vector<1024x128xf32> to vector<1024x128xi32>
    %jit3A_18 = arith.constant 0 : i32
    %jit3A_19 = arith.constant 999 : i32
    %max3A_20 = vector.broadcast %jit3A_18 : i32 to vector<1024x128xi32>
    %max3A_21 = arith.maxsi %max3A_20, %convert_element_type3A_17 : vector<1024x128xi32>
    %min3A_22 = vector.broadcast %jit3A_19 : i32 to vector<1024x128xi32>
    %min3A_23 = arith.minsi %min3A_22, %max3A_21 : vector<1024x128xi32>
    %mul3A = arith.constant 1000 : i32
    %mul3A_24 = vector.broadcast %mul3A : i32 to vector<1024x128xi32>
    %mul3A_25 = arith.muli %min3A_13, %mul3A_24 : vector<1024x128xi32>
    %add3A = arith.addi %mul3A_25, %min3A_23 : vector<1024x128xi32>
    %ge3A = arith.constant 500096 : i32
    %ge3A_26 = vector.broadcast %ge3A : i32 to vector<1024x128xi32>
    %ge3A_27 = arith.cmpi sge, %add3A, %ge3A_26 : vector<1024x128xi32>
    %jit3A_28 = arith.constant 500096 : i32
    %jit3A_29 = arith.constant 0 : i32
    %broadcast_in_dim3A = vector.broadcast %jit3A_28 : i32 to vector<1024x128xi32>
    %broadcast_in_dim3A_30 = vector.broadcast %jit3A_29 : i32 to vector<1024x128xi32>
    %select_n3A = arith.select %ge3A_27, %broadcast_in_dim3A, %broadcast_in_dim3A_30 : vector<1024x128xi1>, vector<1024x128xi32>
    %sub3A = arith.subi %add3A, %select_n3A : vector<1024x128xi32>
    %swap3A = arith.constant 0 : index
    %swap3A_31 = arith.constant 0 : index
    %swap3A_32 = vector.load %arg2[%swap3A, %swap3A_31] : memref<1024x128xi32, #tpu.memory_space<vmem>>, vector<1024x128xi32>
    tpu.vector_store %arg2[%swap3A, %swap3A_31], %sub3A {strides = array<i32>} : memref<1024x128xi32, #tpu.memory_space<vmem>>, vector<1024x128xi32>,
    return
  }
  func.func @transform_0(%arg0: i32) -> (i32, i32, i32) {
    %add3A = arith.constant 4 : i32
    %add3A_0 = arith.addi %arg0, %add3A : i32
    %c0_i32 = arith.constant 0 : i32
    %c0_i32_1 = arith.constant 0 : i32
    %c0_i32_2 = arith.constant 0 : i32
    return %c0_i32, %add3A_0, %c0_i32_1 : i32, i32, i32
  }
  func.func @transform_1(%arg0: i32) -> (i32, i32) {
    %c0_i32 = arith.constant 0 : i32
    %c0_i32_0 = arith.constant 0 : i32
    return %arg0, %c0_i32 : i32, i32
  }
}

module attributes {stable_mosaic.version = 14 : i64} {
  func.func @_tc_idx_body(%arg0: i32, %arg1: memref<2x1024x128xf32, #tpu.memory_space<vmem>>, %arg2: memref<1024x128xi32, #tpu.memory_space<vmem>>) attributes {dimension_semantics = [#tpu.dimension_semantics<arbitrary>], iteration_bounds = array<i64: 4>, scalar_prefetch = 0 : i64, scratch_operands = 0 : i64, tpu.core_type = #tpu.core_type<tc>, window_params = [{transform_indices = @transform_0, window_bounds = array<i64: 2, 1024, 128>}, {transform_indices = @transform_1, window_bounds = array<i64: 1024, 128>}]} {
    %get3A = arith.constant 0 : index
    %get3A_0 = arith.constant 0 : index
    %get3A_1 = arith.constant 0 : index
    %get3A_2 = vector.load %arg1[%get3A, %get3A_0, %get3A_1] : memref<2x1024x128xf32, #tpu.memory_space<vmem>>, vector<1x1024x128xf32>
    %get3A_3 = vector.shape_cast %get3A_2 : vector<1x1024x128xf32> to vector<1024x128xf32>
    %get3A_4 = arith.constant 1 : index
    %get3A_5 = arith.constant 0 : index
    %get3A_6 = arith.constant 0 : index
    %get3A_7 = vector.load %arg1[%get3A_4, %get3A_5, %get3A_6] : memref<2x1024x128xf32, #tpu.memory_space<vmem>>, vector<1x1024x128xf32>
    %get3A_8 = vector.shape_cast %get3A_7 : vector<1x1024x128xf32> to vector<1024x128xf32>
    %div3A = arith.constant 1.000000e-03 : f32
    %div3A_9 = vector.broadcast %div3A : f32 to vector<1024x128xf32>
    %div3A_10 = arith.divf %get3A_3, %div3A_9 : vector<1024x128xf32>
    %convert_element_type3A = arith.fptosi %div3A_10 : vector<1024x128xf32> to vector<1024x128xi32>
    %jit3A = arith.constant 0 : i32
    %jit3A_11 = arith.constant 999 : i32
    %max3A = vector.broadcast %jit3A : i32 to vector<1024x128xi32>
    %max3A_12 = arith.maxsi %max3A, %convert_element_type3A : vector<1024x128xi32>
    %min3A = vector.broadcast %jit3A_11 : i32 to vector<1024x128xi32>
    %min3A_13 = arith.minsi %min3A, %max3A_12 : vector<1024x128xi32>
    %div3A_14 = arith.constant 1.000000e-03 : f32
    %div3A_15 = vector.broadcast %div3A_14 : f32 to vector<1024x128xf32>
    %div3A_16 = arith.divf %get3A_8, %div3A_15 : vector<1024x128xf32>
    %convert_element_type3A_17 = arith.fptosi %div3A_16 : vector<1024x128xf32> to vector<1024x128xi32>
    %jit3A_18 = arith.constant 0 : i32
    %jit3A_19 = arith.constant 999 : i32
    %max3A_20 = vector.broadcast %jit3A_18 : i32 to vector<1024x128xi32>
    %max3A_21 = arith.maxsi %max3A_20, %convert_element_type3A_17 : vector<1024x128xi32>
    %min3A_22 = vector.broadcast %jit3A_19 : i32 to vector<1024x128xi32>
    %min3A_23 = arith.minsi %min3A_22, %max3A_21 : vector<1024x128xi32>
    %mul3A = arith.constant 1000 : i32
    %mul3A_24 = vector.broadcast %mul3A : i32 to vector<1024x128xi32>
    %mul3A_25 = arith.muli %min3A_13, %mul3A_24 : vector<1024x128xi32>
    %add3A = arith.addi %mul3A_25, %min3A_23 : vector<1024x128xi32>
    %ge3A = arith.constant 500096 : i32
    %ge3A_26 = vector.broadcast %ge3A : i32 to vector<1024x128xi32>
    %ge3A_27 = arith.cmpi sge, %add3A, %ge3A_26 : vector<1024x128xi32>
    %jit3A_28 = arith.constant 500096 : i32
    %jit3A_29 = arith.constant 0 : i32
    %broadcast_in_dim3A = vector.broadcast %jit3A_28 : i32 to vector<1024x128xi32>
    %broadcast_in_dim3A_30 = vector.broadcast %jit3A_29 : i32 to vector<1024x128xi32>
    %select_n3A = arith.select %ge3A_27, %broadcast_in_dim3A, %broadcast_in_dim3A_30 : vector<1024x128xi1>, vector<1024x128xi32>
    %sub3A = arith.subi %add3A, %select_n3A : vector<1024x128xi32>
    %swap3A = arith.constant 0 : index
    %swap3A_31 = arith.constant 0 : index
    %swap3A_32 = vector.load %arg2[%swap3A, %swap3A_31] : memref<1024x128xi32, #tpu.memory_space<vmem>>, vector<1024x128xi32>
    tpu.vector_store %arg2[%swap3A, %swap3A_31], %sub3A {strides = array<i32>} : memref<1024x128xi32, #tpu.memory_space<vmem>>, vector<1024x128xi32>,
    return
  }
  func.func @transform_0(%arg0: i32) -> (i32, i32, i32) {
    %add3A = arith.constant 0 : i32
    %add3A_0 = arith.addi %arg0, %add3A : i32
    %c0_i32 = arith.constant 0 : i32
    %c0_i32_1 = arith.constant 0 : i32
    %c0_i32_2 = arith.constant 0 : i32
    return %c0_i32, %add3A_0, %c0_i32_1 : i32, i32, i32
  }
  func.func @transform_1(%arg0: i32) -> (i32, i32) {
    %c0_i32 = arith.constant 0 : i32
    %c0_i32_0 = arith.constant 0 : i32
    return %arg0, %c0_i32 : i32, i32
  }
}

module attributes {stable_mosaic.version = 14 : i64} {
  func.func @_tc_physics_body(%arg0: i32, %arg1: memref<2x512x128xf32, #tpu.memory_space<vmem>>, %arg2: memref<2x512x128xf32, #tpu.memory_space<vmem>>, %arg3: memref<2x512x128xf32, #tpu.memory_space<vmem>>, %arg4: memref<2x512x128xf32, #tpu.memory_space<vmem>>, %arg5: memref<512x128xf32, #tpu.memory_space<vmem>>, %arg6: memref<512x128xi32, #tpu.memory_space<vmem>>, %arg7: memref<4x512x128xf32, #tpu.memory_space<vmem>>) attributes {dimension_semantics = [#tpu.dimension_semantics<arbitrary>], iteration_bounds = array<i64: 8>, scalar_prefetch = 0 : i64, scratch_operands = 0 : i64, tpu.core_type = #tpu.core_type<tc>, window_params = [{transform_indices = @transform_0, window_bounds = array<i64: 2, 512, 128>}, {transform_indices = @transform_1, window_bounds = array<i64: 2, 512, 128>}, {transform_indices = @transform_2, window_bounds = array<i64: 2, 512, 128>}, {transform_indices = @transform_3, window_bounds = array<i64: 2, 512, 128>}, {transform_indices = @transform_4, window_bounds = array<i64: 512, 128>}, {transform_indices = @transform_5, window_bounds = array<i64: 512, 128>}, {transform_indices = @transform_6, window_bounds = array<i64: 4, 512, 128>}]} {
    %get3A = arith.constant 0 : index
    %get3A_0 = arith.constant 0 : index
    %get3A_1 = arith.constant 0 : index
    %get3A_2 = vector.load %arg1[%get3A, %get3A_0, %get3A_1] : memref<2x512x128xf32, #tpu.memory_space<vmem>>, vector<1x512x128xf32>
    %get3A_3 = vector.shape_cast %get3A_2 : vector<1x512x128xf32> to vector<512x128xf32>
    %get3A_4 = arith.constant 1 : index
    %get3A_5 = arith.constant 0 : index
    %get3A_6 = arith.constant 0 : index
    %get3A_7 = vector.load %arg1[%get3A_4, %get3A_5, %get3A_6] : memref<2x512x128xf32, #tpu.memory_space<vmem>>, vector<1x512x128xf32>
    %get3A_8 = vector.shape_cast %get3A_7 : vector<1x512x128xf32> to vector<512x128xf32>
    %ge3A = arith.constant 0.000000e+00 : f32
    %ge3A_9 = vector.broadcast %ge3A : f32 to vector<512x128xf32>
    %ge3A_10 = arith.cmpf oge, %get3A_3, %ge3A_9 : vector<512x128xf32>
    %lt3A = arith.constant 1.000000e+00 : f32
    %lt3A_11 = vector.broadcast %lt3A : f32 to vector<512x128xf32>
    %lt3A_12 = arith.cmpf olt, %get3A_3, %lt3A_11 : vector<512x128xf32>
    %and3A = arith.andi %ge3A_10, %lt3A_12 : vector<512x128xi1>
    %ge3A_13 = arith.constant 0.000000e+00 : f32
    %ge3A_14 = vector.broadcast %ge3A_13 : f32 to vector<512x128xf32>
    %ge3A_15 = arith.cmpf oge, %get3A_8, %ge3A_14 : vector<512x128xf32>
    %and3A_16 = arith.andi %and3A, %ge3A_15 : vector<512x128xi1>
    %lt3A_17 = arith.constant 1.000000e+00 : f32
    %lt3A_18 = vector.broadcast %lt3A_17 : f32 to vector<512x128xf32>
    %lt3A_19 = arith.cmpf olt, %get3A_8, %lt3A_18 : vector<512x128xf32>
    %and3A_20 = arith.andi %and3A_16, %lt3A_19 : vector<512x128xi1>
    %div3A = arith.constant 1.000000e-03 : f32
    %div3A_21 = vector.broadcast %div3A : f32 to vector<512x128xf32>
    %div3A_22 = arith.divf %get3A_3, %div3A_21 : vector<512x128xf32>
    %convert_element_type3A = arith.fptosi %div3A_22 : vector<512x128xf32> to vector<512x128xi32>
    %jit3A = arith.constant 0 : i32
    %jit3A_23 = arith.constant 999 : i32
    %max3A = vector.broadcast %jit3A : i32 to vector<512x128xi32>
    %max3A_24 = arith.maxsi %max3A, %convert_element_type3A : vector<512x128xi32>
    %min3A = vector.broadcast %jit3A_23 : i32 to vector<512x128xi32>
    %min3A_25 = arith.minsi %min3A, %max3A_24 : vector<512x128xi32>
    %div3A_26 = arith.constant 1.000000e-03 : f32
    %div3A_27 = vector.broadcast %div3A_26 : f32 to vector<512x128xf32>
    %div3A_28 = arith.divf %get3A_8, %div3A_27 : vector<512x128xf32>
    %convert_element_type3A_29 = arith.fptosi %div3A_28 : vector<512x128xf32> to vector<512x128xi32>
    %jit3A_30 = arith.constant 0 : i32
    %jit3A_31 = arith.constant 999 : i32
    %max3A_32 = vector.broadcast %jit3A_30 : i32 to vector<512x128xi32>
    %max3A_33 = arith.maxsi %max3A_32, %convert_element_type3A_29 : vector<512x128xi32>
    %min3A_34 = vector.broadcast %jit3A_31 : i32 to vector<512x128xi32>
    %min3A_35 = arith.minsi %min3A_34, %max3A_33 : vector<512x128xi32>
    %mul3A = arith.constant 1000 : i32
    %mul3A_36 = vector.broadcast %mul3A : i32 to vector<512x128xi32>
    %mul3A_37 = arith.muli %min3A_25, %mul3A_36 : vector<512x128xi32>
    %add3A = arith.addi %mul3A_37, %min3A_35 : vector<512x128xi32>
    %ge3A_38 = arith.constant 500096 : i32
    %ge3A_39 = vector.broadcast %ge3A_38 : i32 to vector<512x128xi32>
    %ge3A_40 = arith.cmpi sge, %add3A, %ge3A_39 : vector<512x128xi32>
    %jit3A_41 = arith.constant 16 : i32
    %jit3A_42 = arith.constant 0 : i32
    %broadcast_in_dim3A = vector.broadcast %jit3A_41 : i32 to vector<512x128xi32>
    %broadcast_in_dim3A_43 = vector.broadcast %jit3A_42 : i32 to vector<512x128xi32>
    %select_n3A = arith.select %ge3A_40, %broadcast_in_dim3A, %broadcast_in_dim3A_43 : vector<512x128xi1>, vector<512x128xi32>
    %get3A_44 = arith.constant 0 : index
    %get3A_45 = arith.constant 0 : index
    %get3A_46 = vector.load %arg6[%get3A_44, %get3A_45] : memref<512x128xi32, #tpu.memory_space<vmem>>, vector<512x128xi32>
    %shift_right_arithmetic3A = arith.shrsi %get3A_46, %select_n3A : vector<512x128xi32>
    %shift_left3A = arith.constant 16 : i32
    %shift_left3A_47 = vector.broadcast %shift_left3A : i32 to vector<512x128xi32>
    %shift_left3A_48 = arith.shli %shift_right_arithmetic3A, %shift_left3A_47 : vector<512x128xi32>
    %bitcast_convert_type3A = tpu.bitcast %shift_left3A_48 : vector<512x128xi32> -> vector<512x128xf32>
    %get3A_49 = arith.constant 0 : index
    %get3A_50 = arith.constant 0 : index
    %get3A_51 = vector.load %arg5[%get3A_49, %get3A_50] : memref<512x128xf32, #tpu.memory_space<vmem>>, vector<512x128xf32>
    %div3A_52 = arith.constant 1.360000e-02 : f32
    %div3A_53 = vector.broadcast %div3A_52 : f32 to vector<512x128xf32>
    %div3A_54 = arith.divf %div3A_53, %get3A_51 : vector<512x128xf32>
    %get3A_55 = arith.constant 0 : index
    %get3A_56 = arith.constant 0 : index
    %get3A_57 = arith.constant 0 : index
    %get3A_58 = vector.load %arg2[%get3A_55, %get3A_56, %get3A_57] : memref<2x512x128xf32, #tpu.memory_space<vmem>>, vector<1x512x128xf32>
    %get3A_59 = vector.shape_cast %get3A_58 : vector<1x512x128xf32> to vector<512x128xf32>
    %get3A_60 = arith.constant 0 : index
    %get3A_61 = arith.constant 0 : index
    %get3A_62 = arith.constant 0 : index
    %get3A_63 = vector.load %arg3[%get3A_60, %get3A_61, %get3A_62] : memref<2x512x128xf32, #tpu.memory_space<vmem>>, vector<1x512x128xf32>
    %get3A_64 = vector.shape_cast %get3A_63 : vector<1x512x128xf32> to vector<512x128xf32>
    %get3A_65 = arith.constant 0 : index
    %get3A_66 = arith.constant 0 : index
    %get3A_67 = arith.constant 0 : index
    %get3A_68 = vector.load %arg4[%get3A_65, %get3A_66, %get3A_67] : memref<2x512x128xf32, #tpu.memory_space<vmem>>, vector<1x512x128xf32>
    %get3A_69 = vector.shape_cast %get3A_68 : vector<1x512x128xf32> to vector<512x128xf32>
    %cos3A = math.cos %get3A_59 : vector<512x128xf32>
    %div3A_70 = arith.constant 1.000000e-03 : f32
    %div3A_71 = vector.broadcast %div3A_70 : f32 to vector<512x128xf32>
    %div3A_72 = arith.divf %div3A_71, %cos3A : vector<512x128xf32>
    %div3A_73 = arith.divf %div3A_72, %bitcast_convert_type3A : vector<512x128xf32>
    %sqrt3A = math.sqrt %div3A_73 : vector<512x128xf32>
    %mul3A_74 = arith.mulf %div3A_54, %sqrt3A : vector<512x128xf32>
    %log3A = math.log %div3A_73 : vector<512x128xf32>
    %mul3A_75 = arith.constant 3.800000e-02 : f32
    %mul3A_76 = vector.broadcast %mul3A_75 : f32 to vector<512x128xf32>
    %mul3A_77 = arith.mulf %mul3A_76, %log3A : vector<512x128xf32>
    %add3A_78 = arith.constant 1.000000e+00 : f32
    %add3A_79 = vector.broadcast %add3A_78 : f32 to vector<512x128xf32>
    %add3A_80 = arith.addf %add3A_79, %mul3A_77 : vector<512x128xf32>
    %mul3A_81 = arith.mulf %mul3A_74, %add3A_80 : vector<512x128xf32>
    %mul3A_82 = arith.mulf %get3A_64, %mul3A_81 : vector<512x128xf32>
    %sin3A = math.sin %mul3A_81 : vector<512x128xf32>
    %mul3A_83 = arith.mulf %div3A_72, %sin3A : vector<512x128xf32>
    %div3A_84 = arith.constant 3.46410155 : f32
    %div3A_85 = vector.broadcast %div3A_84 : f32 to vector<512x128xf32>
    %div3A_86 = arith.divf %get3A_64, %div3A_85 : vector<512x128xf32>
    %div3A_87 = arith.constant 2.000000e+00 : f32
    %div3A_88 = vector.broadcast %div3A_87 : f32 to vector<512x128xf32>
    %div3A_89 = arith.divf %get3A_69, %div3A_88 : vector<512x128xf32>
    %add3A_90 = arith.addf %div3A_86, %div3A_89 : vector<512x128xf32>
    %mul3A_91 = arith.mulf %mul3A_83, %add3A_90 : vector<512x128xf32>
    %mul3A_92 = arith.mulf %mul3A_91, %cos3A : vector<512x128xf32>
    %jit3A_93 = arith.constant 0.000000e+00 : f32
    %broadcast_in_dim3A_94 = vector.broadcast %jit3A_93 : f32 to vector<512x128xf32>
    %select_n3A_95 = arith.select %and3A_20, %mul3A_82, %broadcast_in_dim3A_94 : vector<512x128xi1>, vector<512x128xf32>
    %swap3A = arith.constant 0 : index
    %swap3A_96 = arith.constant 0 : index
    %swap3A_97 = arith.constant 0 : index
    %swap3A_98 = vector.load %arg7[%swap3A, %swap3A_96, %swap3A_97] : memref<4x512x128xf32, #tpu.memory_space<vmem>>, vector<1x512x128xf32>
    %swap3A_99 = vector.shape_cast %swap3A_98 : vector<1x512x128xf32> to vector<512x128xf32>
    %swap3A_100 = vector.shape_cast %select_n3A_95 : vector<512x128xf32> to vector<1x512x128xf32>
    tpu.vector_store %arg7[%swap3A, %swap3A_96, %swap3A_97], %swap3A_100 {strides = array<i32>} : memref<4x512x128xf32, #tpu.memory_space<vmem>>, vector<1x512x128xf32>,
    %jit3A_101 = arith.constant 0.000000e+00 : f32
    %broadcast_in_dim3A_102 = vector.broadcast %jit3A_101 : f32 to vector<512x128xf32>
    %select_n3A_103 = arith.select %and3A_20, %mul3A_92, %broadcast_in_dim3A_102 : vector<512x128xi1>, vector<512x128xf32>
    %swap3A_104 = arith.constant 2 : index
    %swap3A_105 = arith.constant 0 : index
    %swap3A_106 = arith.constant 0 : index
    %swap3A_107 = vector.load %arg7[%swap3A_104, %swap3A_105, %swap3A_106] : memref<4x512x128xf32, #tpu.memory_space<vmem>>, vector<1x512x128xf32>
    %swap3A_108 = vector.shape_cast %swap3A_107 : vector<1x512x128xf32> to vector<512x128xf32>
    %swap3A_109 = vector.shape_cast %select_n3A_103 : vector<512x128xf32> to vector<1x512x128xf32>
    tpu.vector_store %arg7[%swap3A_104, %swap3A_105, %swap3A_106], %swap3A_109 {strides = array<i32>} : memref<4x512x128xf32, #tpu.memory_space<vmem>>, vector<1x512x128xf32>,
    %get3A_110 = arith.constant 1 : index
    %get3A_111 = arith.constant 0 : index
    %get3A_112 = arith.constant 0 : index
    %get3A_113 = vector.load %arg2[%get3A_110, %get3A_111, %get3A_112] : memref<2x512x128xf32, #tpu.memory_space<vmem>>, vector<1x512x128xf32>
    %get3A_114 = vector.shape_cast %get3A_113 : vector<1x512x128xf32> to vector<512x128xf32>
    %get3A_115 = arith.constant 1 : index
    %get3A_116 = arith.constant 0 : index
    %get3A_117 = arith.constant 0 : index
    %get3A_118 = vector.load %arg3[%get3A_115, %get3A_116, %get3A_117] : memref<2x512x128xf32, #tpu.memory_space<vmem>>, vector<1x512x128xf32>
    %get3A_119 = vector.shape_cast %get3A_118 : vector<1x512x128xf32> to vector<512x128xf32>
    %get3A_120 = arith.constant 1 : index
    %get3A_121 = arith.constant 0 : index
    %get3A_122 = arith.constant 0 : index
    %get3A_123 = vector.load %arg4[%get3A_120, %get3A_121, %get3A_122] : memref<2x512x128xf32, #tpu.memory_space<vmem>>, vector<1x512x128xf32>
    %get3A_124 = vector.shape_cast %get3A_123 : vector<1x512x128xf32> to vector<512x128xf32>
    %cos3A_125 = math.cos %get3A_114 : vector<512x128xf32>
    %div3A_126 = arith.constant 1.000000e-03 : f32
    %div3A_127 = vector.broadcast %div3A_126 : f32 to vector<512x128xf32>
    %div3A_128 = arith.divf %div3A_127, %cos3A_125 : vector<512x128xf32>
    %div3A_129 = arith.divf %div3A_128, %bitcast_convert_type3A : vector<512x128xf32>
    %sqrt3A_130 = math.sqrt %div3A_129 : vector<512x128xf32>
    %mul3A_131 = arith.mulf %div3A_54, %sqrt3A_130 : vector<512x128xf32>
    %log3A_132 = math.log %div3A_129 : vector<512x128xf32>
    %mul3A_133 = arith.constant 3.800000e-02 : f32
    %mul3A_134 = vector.broadcast %mul3A_133 : f32 to vector<512x128xf32>
    %mul3A_135 = arith.mulf %mul3A_134, %log3A_132 : vector<512x128xf32>
    %add3A_136 = arith.constant 1.000000e+00 : f32
    %add3A_137 = vector.broadcast %add3A_136 : f32 to vector<512x128xf32>
    %add3A_138 = arith.addf %add3A_137, %mul3A_135 : vector<512x128xf32>
    %mul3A_139 = arith.mulf %mul3A_131, %add3A_138 : vector<512x128xf32>
    %mul3A_140 = arith.mulf %get3A_119, %mul3A_139 : vector<512x128xf32>
    %sin3A_141 = math.sin %mul3A_139 : vector<512x128xf32>
    %mul3A_142 = arith.mulf %div3A_128, %sin3A_141 : vector<512x128xf32>
    %div3A_143 = arith.constant 3.46410155 : f32
    %div3A_144 = vector.broadcast %div3A_143 : f32 to vector<512x128xf32>
    %div3A_145 = arith.divf %get3A_119, %div3A_144 : vector<512x128xf32>
    %div3A_146 = arith.constant 2.000000e+00 : f32
    %div3A_147 = vector.broadcast %div3A_146 : f32 to vector<512x128xf32>
    %div3A_148 = arith.divf %get3A_124, %div3A_147 : vector<512x128xf32>
    %add3A_149 = arith.addf %div3A_145, %div3A_148 : vector<512x128xf32>
    %mul3A_150 = arith.mulf %mul3A_142, %add3A_149 : vector<512x128xf32>
    %mul3A_151 = arith.mulf %mul3A_150, %cos3A_125 : vector<512x128xf32>
    %jit3A_152 = arith.constant 0.000000e+00 : f32
    %broadcast_in_dim3A_153 = vector.broadcast %jit3A_152 : f32 to vector<512x128xf32>
    %select_n3A_154 = arith.select %and3A_20, %mul3A_140, %broadcast_in_dim3A_153 : vector<512x128xi1>, vector<512x128xf32>
    %swap3A_155 = arith.constant 1 : index
    %swap3A_156 = arith.constant 0 : index
    %swap3A_157 = arith.constant 0 : index
    %swap3A_158 = vector.load %arg7[%swap3A_155, %swap3A_156, %swap3A_157] : memref<4x512x128xf32, #tpu.memory_space<vmem>>, vector<1x512x128xf32>
    %swap3A_159 = vector.shape_cast %swap3A_158 : vector<1x512x128xf32> to vector<512x128xf32>
    %swap3A_160 = vector.shape_cast %select_n3A_154 : vector<512x128xf32> to vector<1x512x128xf32>
    tpu.vector_store %arg7[%swap3A_155, %swap3A_156, %swap3A_157], %swap3A_160 {strides = array<i32>} : memref<4x512x128xf32, #tpu.memory_space<vmem>>, vector<1x512x128xf32>,
    %jit3A_161 = arith.constant 0.000000e+00 : f32
    %broadcast_in_dim3A_162 = vector.broadcast %jit3A_161 : f32 to vector<512x128xf32>
    %select_n3A_163 = arith.select %and3A_20, %mul3A_151, %broadcast_in_dim3A_162 : vector<512x128xi1>, vector<512x128xf32>
    %swap3A_164 = arith.constant 3 : index
    %swap3A_165 = arith.constant 0 : index
    %swap3A_166 = arith.constant 0 : index
    %swap3A_167 = vector.load %arg7[%swap3A_164, %swap3A_165, %swap3A_166] : memref<4x512x128xf32, #tpu.memory_space<vmem>>, vector<1x512x128xf32>
    %swap3A_168 = vector.shape_cast %swap3A_167 : vector<1x512x128xf32> to vector<512x128xf32>
    %swap3A_169 = vector.shape_cast %select_n3A_163 : vector<512x128xf32> to vector<1x512x128xf32>
    tpu.vector_store %arg7[%swap3A_164, %swap3A_165, %swap3A_166], %swap3A_169 {strides = array<i32>} : memref<4x512x128xf32, #tpu.memory_space<vmem>>, vector<1x512x128xf32>,
    return
  }
  func.func @transform_0(%arg0: i32) -> (i32, i32, i32) {
    %add3A = arith.constant 8 : i32
    %add3A_0 = arith.addi %arg0, %add3A : i32
    %c0_i32 = arith.constant 0 : i32
    %c0_i32_1 = arith.constant 0 : i32
    %c0_i32_2 = arith.constant 0 : i32
    return %c0_i32, %add3A_0, %c0_i32_1 : i32, i32, i32
  }
  func.func @transform_1(%arg0: i32) -> (i32, i32, i32) {
    %add3A = arith.constant 8 : i32
    %add3A_0 = arith.addi %arg0, %add3A : i32
    %c0_i32 = arith.constant 0 : i32
    %c0_i32_1 = arith.constant 0 : i32
    %c0_i32_2 = arith.constant 0 : i32
    return %c0_i32, %add3A_0, %c0_i32_1 : i32, i32, i32
  }
  func.func @transform_2(%arg0: i32) -> (i32, i32, i32) {
    %add3A = arith.constant 8 : i32
    %add3A_0 = arith.addi %arg0, %add3A : i32
    %c0_i32 = arith.constant 0 : i32
    %c0_i32_1 = arith.constant 0 : i32
    %c0_i32_2 = arith.constant 0 : i32
    return %c0_i32, %add3A_0, %c0_i32_1 : i32, i32, i32
  }
  func.func @transform_3(%arg0: i32) -> (i32, i32, i32) {
    %add3A = arith.constant 8 : i32
    %add3A_0 = arith.addi %arg0, %add3A : i32
    %c0_i32 = arith.constant 0 : i32
    %c0_i32_1 = arith.constant 0 : i32
    %c0_i32_2 = arith.constant 0 : i32
    return %c0_i32, %add3A_0, %c0_i32_1 : i32, i32, i32
  }
  func.func @transform_4(%arg0: i32) -> (i32, i32) {
    %add3A = arith.constant 8 : i32
    %add3A_0 = arith.addi %arg0, %add3A : i32
    %c0_i32 = arith.constant 0 : i32
    %c0_i32_1 = arith.constant 0 : i32
    return %add3A_0, %c0_i32 : i32, i32
  }
  func.func @transform_5(%arg0: i32) -> (i32, i32) {
    %c0_i32 = arith.constant 0 : i32
    %c0_i32_0 = arith.constant 0 : i32
    return %arg0, %c0_i32 : i32, i32
  }
  func.func @transform_6(%arg0: i32) -> (i32, i32, i32) {
    %c0_i32 = arith.constant 0 : i32
    %c0_i32_0 = arith.constant 0 : i32
    %c0_i32_1 = arith.constant 0 : i32
    return %c0_i32, %arg0, %c0_i32_0 : i32, i32, i32
  }
}

module attributes {stable_mosaic.version = 14 : i64} {
  func.func @_tc_physics_body(%arg0: i32, %arg1: memref<2x512x128xf32, #tpu.memory_space<vmem>>, %arg2: memref<2x512x128xf32, #tpu.memory_space<vmem>>, %arg3: memref<2x512x128xf32, #tpu.memory_space<vmem>>, %arg4: memref<2x512x128xf32, #tpu.memory_space<vmem>>, %arg5: memref<512x128xf32, #tpu.memory_space<vmem>>, %arg6: memref<512x128xi32, #tpu.memory_space<vmem>>, %arg7: memref<4x512x128xf32, #tpu.memory_space<vmem>>) attributes {dimension_semantics = [#tpu.dimension_semantics<arbitrary>], iteration_bounds = array<i64: 8>, scalar_prefetch = 0 : i64, scratch_operands = 0 : i64, tpu.core_type = #tpu.core_type<tc>, window_params = [{transform_indices = @transform_0, window_bounds = array<i64: 2, 512, 128>}, {transform_indices = @transform_1, window_bounds = array<i64: 2, 512, 128>}, {transform_indices = @transform_2, window_bounds = array<i64: 2, 512, 128>}, {transform_indices = @transform_3, window_bounds = array<i64: 2, 512, 128>}, {transform_indices = @transform_4, window_bounds = array<i64: 512, 128>}, {transform_indices = @transform_5, window_bounds = array<i64: 512, 128>}, {transform_indices = @transform_6, window_bounds = array<i64: 4, 512, 128>}]} {
    %get3A = arith.constant 0 : index
    %get3A_0 = arith.constant 0 : index
    %get3A_1 = arith.constant 0 : index
    %get3A_2 = vector.load %arg1[%get3A, %get3A_0, %get3A_1] : memref<2x512x128xf32, #tpu.memory_space<vmem>>, vector<1x512x128xf32>
    %get3A_3 = vector.shape_cast %get3A_2 : vector<1x512x128xf32> to vector<512x128xf32>
    %get3A_4 = arith.constant 1 : index
    %get3A_5 = arith.constant 0 : index
    %get3A_6 = arith.constant 0 : index
    %get3A_7 = vector.load %arg1[%get3A_4, %get3A_5, %get3A_6] : memref<2x512x128xf32, #tpu.memory_space<vmem>>, vector<1x512x128xf32>
    %get3A_8 = vector.shape_cast %get3A_7 : vector<1x512x128xf32> to vector<512x128xf32>
    %ge3A = arith.constant 0.000000e+00 : f32
    %ge3A_9 = vector.broadcast %ge3A : f32 to vector<512x128xf32>
    %ge3A_10 = arith.cmpf oge, %get3A_3, %ge3A_9 : vector<512x128xf32>
    %lt3A = arith.constant 1.000000e+00 : f32
    %lt3A_11 = vector.broadcast %lt3A : f32 to vector<512x128xf32>
    %lt3A_12 = arith.cmpf olt, %get3A_3, %lt3A_11 : vector<512x128xf32>
    %and3A = arith.andi %ge3A_10, %lt3A_12 : vector<512x128xi1>
    %ge3A_13 = arith.constant 0.000000e+00 : f32
    %ge3A_14 = vector.broadcast %ge3A_13 : f32 to vector<512x128xf32>
    %ge3A_15 = arith.cmpf oge, %get3A_8, %ge3A_14 : vector<512x128xf32>
    %and3A_16 = arith.andi %and3A, %ge3A_15 : vector<512x128xi1>
    %lt3A_17 = arith.constant 1.000000e+00 : f32
    %lt3A_18 = vector.broadcast %lt3A_17 : f32 to vector<512x128xf32>
    %lt3A_19 = arith.cmpf olt, %get3A_8, %lt3A_18 : vector<512x128xf32>
    %and3A_20 = arith.andi %and3A_16, %lt3A_19 : vector<512x128xi1>
    %div3A = arith.constant 1.000000e-03 : f32
    %div3A_21 = vector.broadcast %div3A : f32 to vector<512x128xf32>
    %div3A_22 = arith.divf %get3A_3, %div3A_21 : vector<512x128xf32>
    %convert_element_type3A = arith.fptosi %div3A_22 : vector<512x128xf32> to vector<512x128xi32>
    %jit3A = arith.constant 0 : i32
    %jit3A_23 = arith.constant 999 : i32
    %max3A = vector.broadcast %jit3A : i32 to vector<512x128xi32>
    %max3A_24 = arith.maxsi %max3A, %convert_element_type3A : vector<512x128xi32>
    %min3A = vector.broadcast %jit3A_23 : i32 to vector<512x128xi32>
    %min3A_25 = arith.minsi %min3A, %max3A_24 : vector<512x128xi32>
    %div3A_26 = arith.constant 1.000000e-03 : f32
    %div3A_27 = vector.broadcast %div3A_26 : f32 to vector<512x128xf32>
    %div3A_28 = arith.divf %get3A_8, %div3A_27 : vector<512x128xf32>
    %convert_element_type3A_29 = arith.fptosi %div3A_28 : vector<512x128xf32> to vector<512x128xi32>
    %jit3A_30 = arith.constant 0 : i32
    %jit3A_31 = arith.constant 999 : i32
    %max3A_32 = vector.broadcast %jit3A_30 : i32 to vector<512x128xi32>
    %max3A_33 = arith.maxsi %max3A_32, %convert_element_type3A_29 : vector<512x128xi32>
    %min3A_34 = vector.broadcast %jit3A_31 : i32 to vector<512x128xi32>
    %min3A_35 = arith.minsi %min3A_34, %max3A_33 : vector<512x128xi32>
    %mul3A = arith.constant 1000 : i32
    %mul3A_36 = vector.broadcast %mul3A : i32 to vector<512x128xi32>
    %mul3A_37 = arith.muli %min3A_25, %mul3A_36 : vector<512x128xi32>
    %add3A = arith.addi %mul3A_37, %min3A_35 : vector<512x128xi32>
    %ge3A_38 = arith.constant 500096 : i32
    %ge3A_39 = vector.broadcast %ge3A_38 : i32 to vector<512x128xi32>
    %ge3A_40 = arith.cmpi sge, %add3A, %ge3A_39 : vector<512x128xi32>
    %jit3A_41 = arith.constant 16 : i32
    %jit3A_42 = arith.constant 0 : i32
    %broadcast_in_dim3A = vector.broadcast %jit3A_41 : i32 to vector<512x128xi32>
    %broadcast_in_dim3A_43 = vector.broadcast %jit3A_42 : i32 to vector<512x128xi32>
    %select_n3A = arith.select %ge3A_40, %broadcast_in_dim3A, %broadcast_in_dim3A_43 : vector<512x128xi1>, vector<512x128xi32>
    %get3A_44 = arith.constant 0 : index
    %get3A_45 = arith.constant 0 : index
    %get3A_46 = vector.load %arg6[%get3A_44, %get3A_45] : memref<512x128xi32, #tpu.memory_space<vmem>>, vector<512x128xi32>
    %shift_right_arithmetic3A = arith.shrsi %get3A_46, %select_n3A : vector<512x128xi32>
    %shift_left3A = arith.constant 16 : i32
    %shift_left3A_47 = vector.broadcast %shift_left3A : i32 to vector<512x128xi32>
    %shift_left3A_48 = arith.shli %shift_right_arithmetic3A, %shift_left3A_47 : vector<512x128xi32>
    %bitcast_convert_type3A = tpu.bitcast %shift_left3A_48 : vector<512x128xi32> -> vector<512x128xf32>
    %get3A_49 = arith.constant 0 : index
    %get3A_50 = arith.constant 0 : index
    %get3A_51 = vector.load %arg5[%get3A_49, %get3A_50] : memref<512x128xf32, #tpu.memory_space<vmem>>, vector<512x128xf32>
    %div3A_52 = arith.constant 1.360000e-02 : f32
    %div3A_53 = vector.broadcast %div3A_52 : f32 to vector<512x128xf32>
    %div3A_54 = arith.divf %div3A_53, %get3A_51 : vector<512x128xf32>
    %get3A_55 = arith.constant 0 : index
    %get3A_56 = arith.constant 0 : index
    %get3A_57 = arith.constant 0 : index
    %get3A_58 = vector.load %arg2[%get3A_55, %get3A_56, %get3A_57] : memref<2x512x128xf32, #tpu.memory_space<vmem>>, vector<1x512x128xf32>
    %get3A_59 = vector.shape_cast %get3A_58 : vector<1x512x128xf32> to vector<512x128xf32>
    %get3A_60 = arith.constant 0 : index
    %get3A_61 = arith.constant 0 : index
    %get3A_62 = arith.constant 0 : index
    %get3A_63 = vector.load %arg3[%get3A_60, %get3A_61, %get3A_62] : memref<2x512x128xf32, #tpu.memory_space<vmem>>, vector<1x512x128xf32>
    %get3A_64 = vector.shape_cast %get3A_63 : vector<1x512x128xf32> to vector<512x128xf32>
    %get3A_65 = arith.constant 0 : index
    %get3A_66 = arith.constant 0 : index
    %get3A_67 = arith.constant 0 : index
    %get3A_68 = vector.load %arg4[%get3A_65, %get3A_66, %get3A_67] : memref<2x512x128xf32, #tpu.memory_space<vmem>>, vector<1x512x128xf32>
    %get3A_69 = vector.shape_cast %get3A_68 : vector<1x512x128xf32> to vector<512x128xf32>
    %cos3A = math.cos %get3A_59 : vector<512x128xf32>
    %div3A_70 = arith.constant 1.000000e-03 : f32
    %div3A_71 = vector.broadcast %div3A_70 : f32 to vector<512x128xf32>
    %div3A_72 = arith.divf %div3A_71, %cos3A : vector<512x128xf32>
    %div3A_73 = arith.divf %div3A_72, %bitcast_convert_type3A : vector<512x128xf32>
    %sqrt3A = math.sqrt %div3A_73 : vector<512x128xf32>
    %mul3A_74 = arith.mulf %div3A_54, %sqrt3A : vector<512x128xf32>
    %log3A = math.log %div3A_73 : vector<512x128xf32>
    %mul3A_75 = arith.constant 3.800000e-02 : f32
    %mul3A_76 = vector.broadcast %mul3A_75 : f32 to vector<512x128xf32>
    %mul3A_77 = arith.mulf %mul3A_76, %log3A : vector<512x128xf32>
    %add3A_78 = arith.constant 1.000000e+00 : f32
    %add3A_79 = vector.broadcast %add3A_78 : f32 to vector<512x128xf32>
    %add3A_80 = arith.addf %add3A_79, %mul3A_77 : vector<512x128xf32>
    %mul3A_81 = arith.mulf %mul3A_74, %add3A_80 : vector<512x128xf32>
    %mul3A_82 = arith.mulf %get3A_64, %mul3A_81 : vector<512x128xf32>
    %sin3A = math.sin %mul3A_81 : vector<512x128xf32>
    %mul3A_83 = arith.mulf %div3A_72, %sin3A : vector<512x128xf32>
    %div3A_84 = arith.constant 3.46410155 : f32
    %div3A_85 = vector.broadcast %div3A_84 : f32 to vector<512x128xf32>
    %div3A_86 = arith.divf %get3A_64, %div3A_85 : vector<512x128xf32>
    %div3A_87 = arith.constant 2.000000e+00 : f32
    %div3A_88 = vector.broadcast %div3A_87 : f32 to vector<512x128xf32>
    %div3A_89 = arith.divf %get3A_69, %div3A_88 : vector<512x128xf32>
    %add3A_90 = arith.addf %div3A_86, %div3A_89 : vector<512x128xf32>
    %mul3A_91 = arith.mulf %mul3A_83, %add3A_90 : vector<512x128xf32>
    %mul3A_92 = arith.mulf %mul3A_91, %cos3A : vector<512x128xf32>
    %jit3A_93 = arith.constant 0.000000e+00 : f32
    %broadcast_in_dim3A_94 = vector.broadcast %jit3A_93 : f32 to vector<512x128xf32>
    %select_n3A_95 = arith.select %and3A_20, %mul3A_82, %broadcast_in_dim3A_94 : vector<512x128xi1>, vector<512x128xf32>
    %swap3A = arith.constant 0 : index
    %swap3A_96 = arith.constant 0 : index
    %swap3A_97 = arith.constant 0 : index
    %swap3A_98 = vector.load %arg7[%swap3A, %swap3A_96, %swap3A_97] : memref<4x512x128xf32, #tpu.memory_space<vmem>>, vector<1x512x128xf32>
    %swap3A_99 = vector.shape_cast %swap3A_98 : vector<1x512x128xf32> to vector<512x128xf32>
    %swap3A_100 = vector.shape_cast %select_n3A_95 : vector<512x128xf32> to vector<1x512x128xf32>
    tpu.vector_store %arg7[%swap3A, %swap3A_96, %swap3A_97], %swap3A_100 {strides = array<i32>} : memref<4x512x128xf32, #tpu.memory_space<vmem>>, vector<1x512x128xf32>,
    %jit3A_101 = arith.constant 0.000000e+00 : f32
    %broadcast_in_dim3A_102 = vector.broadcast %jit3A_101 : f32 to vector<512x128xf32>
    %select_n3A_103 = arith.select %and3A_20, %mul3A_92, %broadcast_in_dim3A_102 : vector<512x128xi1>, vector<512x128xf32>
    %swap3A_104 = arith.constant 2 : index
    %swap3A_105 = arith.constant 0 : index
    %swap3A_106 = arith.constant 0 : index
    %swap3A_107 = vector.load %arg7[%swap3A_104, %swap3A_105, %swap3A_106] : memref<4x512x128xf32, #tpu.memory_space<vmem>>, vector<1x512x128xf32>
    %swap3A_108 = vector.shape_cast %swap3A_107 : vector<1x512x128xf32> to vector<512x128xf32>
    %swap3A_109 = vector.shape_cast %select_n3A_103 : vector<512x128xf32> to vector<1x512x128xf32>
    tpu.vector_store %arg7[%swap3A_104, %swap3A_105, %swap3A_106], %swap3A_109 {strides = array<i32>} : memref<4x512x128xf32, #tpu.memory_space<vmem>>, vector<1x512x128xf32>,
    %get3A_110 = arith.constant 1 : index
    %get3A_111 = arith.constant 0 : index
    %get3A_112 = arith.constant 0 : index
    %get3A_113 = vector.load %arg2[%get3A_110, %get3A_111, %get3A_112] : memref<2x512x128xf32, #tpu.memory_space<vmem>>, vector<1x512x128xf32>
    %get3A_114 = vector.shape_cast %get3A_113 : vector<1x512x128xf32> to vector<512x128xf32>
    %get3A_115 = arith.constant 1 : index
    %get3A_116 = arith.constant 0 : index
    %get3A_117 = arith.constant 0 : index
    %get3A_118 = vector.load %arg3[%get3A_115, %get3A_116, %get3A_117] : memref<2x512x128xf32, #tpu.memory_space<vmem>>, vector<1x512x128xf32>
    %get3A_119 = vector.shape_cast %get3A_118 : vector<1x512x128xf32> to vector<512x128xf32>
    %get3A_120 = arith.constant 1 : index
    %get3A_121 = arith.constant 0 : index
    %get3A_122 = arith.constant 0 : index
    %get3A_123 = vector.load %arg4[%get3A_120, %get3A_121, %get3A_122] : memref<2x512x128xf32, #tpu.memory_space<vmem>>, vector<1x512x128xf32>
    %get3A_124 = vector.shape_cast %get3A_123 : vector<1x512x128xf32> to vector<512x128xf32>
    %cos3A_125 = math.cos %get3A_114 : vector<512x128xf32>
    %div3A_126 = arith.constant 1.000000e-03 : f32
    %div3A_127 = vector.broadcast %div3A_126 : f32 to vector<512x128xf32>
    %div3A_128 = arith.divf %div3A_127, %cos3A_125 : vector<512x128xf32>
    %div3A_129 = arith.divf %div3A_128, %bitcast_convert_type3A : vector<512x128xf32>
    %sqrt3A_130 = math.sqrt %div3A_129 : vector<512x128xf32>
    %mul3A_131 = arith.mulf %div3A_54, %sqrt3A_130 : vector<512x128xf32>
    %log3A_132 = math.log %div3A_129 : vector<512x128xf32>
    %mul3A_133 = arith.constant 3.800000e-02 : f32
    %mul3A_134 = vector.broadcast %mul3A_133 : f32 to vector<512x128xf32>
    %mul3A_135 = arith.mulf %mul3A_134, %log3A_132 : vector<512x128xf32>
    %add3A_136 = arith.constant 1.000000e+00 : f32
    %add3A_137 = vector.broadcast %add3A_136 : f32 to vector<512x128xf32>
    %add3A_138 = arith.addf %add3A_137, %mul3A_135 : vector<512x128xf32>
    %mul3A_139 = arith.mulf %mul3A_131, %add3A_138 : vector<512x128xf32>
    %mul3A_140 = arith.mulf %get3A_119, %mul3A_139 : vector<512x128xf32>
    %sin3A_141 = math.sin %mul3A_139 : vector<512x128xf32>
    %mul3A_142 = arith.mulf %div3A_128, %sin3A_141 : vector<512x128xf32>
    %div3A_143 = arith.constant 3.46410155 : f32
    %div3A_144 = vector.broadcast %div3A_143 : f32 to vector<512x128xf32>
    %div3A_145 = arith.divf %get3A_119, %div3A_144 : vector<512x128xf32>
    %div3A_146 = arith.constant 2.000000e+00 : f32
    %div3A_147 = vector.broadcast %div3A_146 : f32 to vector<512x128xf32>
    %div3A_148 = arith.divf %get3A_124, %div3A_147 : vector<512x128xf32>
    %add3A_149 = arith.addf %div3A_145, %div3A_148 : vector<512x128xf32>
    %mul3A_150 = arith.mulf %mul3A_142, %add3A_149 : vector<512x128xf32>
    %mul3A_151 = arith.mulf %mul3A_150, %cos3A_125 : vector<512x128xf32>
    %jit3A_152 = arith.constant 0.000000e+00 : f32
    %broadcast_in_dim3A_153 = vector.broadcast %jit3A_152 : f32 to vector<512x128xf32>
    %select_n3A_154 = arith.select %and3A_20, %mul3A_140, %broadcast_in_dim3A_153 : vector<512x128xi1>, vector<512x128xf32>
    %swap3A_155 = arith.constant 1 : index
    %swap3A_156 = arith.constant 0 : index
    %swap3A_157 = arith.constant 0 : index
    %swap3A_158 = vector.load %arg7[%swap3A_155, %swap3A_156, %swap3A_157] : memref<4x512x128xf32, #tpu.memory_space<vmem>>, vector<1x512x128xf32>
    %swap3A_159 = vector.shape_cast %swap3A_158 : vector<1x512x128xf32> to vector<512x128xf32>
    %swap3A_160 = vector.shape_cast %select_n3A_154 : vector<512x128xf32> to vector<1x512x128xf32>
    tpu.vector_store %arg7[%swap3A_155, %swap3A_156, %swap3A_157], %swap3A_160 {strides = array<i32>} : memref<4x512x128xf32, #tpu.memory_space<vmem>>, vector<1x512x128xf32>,
    %jit3A_161 = arith.constant 0.000000e+00 : f32
    %broadcast_in_dim3A_162 = vector.broadcast %jit3A_161 : f32 to vector<512x128xf32>
    %select_n3A_163 = arith.select %and3A_20, %mul3A_151, %broadcast_in_dim3A_162 : vector<512x128xi1>, vector<512x128xf32>
    %swap3A_164 = arith.constant 3 : index
    %swap3A_165 = arith.constant 0 : index
    %swap3A_166 = arith.constant 0 : index
    %swap3A_167 = vector.load %arg7[%swap3A_164, %swap3A_165, %swap3A_166] : memref<4x512x128xf32, #tpu.memory_space<vmem>>, vector<1x512x128xf32>
    %swap3A_168 = vector.shape_cast %swap3A_167 : vector<1x512x128xf32> to vector<512x128xf32>
    %swap3A_169 = vector.shape_cast %select_n3A_163 : vector<512x128xf32> to vector<1x512x128xf32>
    tpu.vector_store %arg7[%swap3A_164, %swap3A_165, %swap3A_166], %swap3A_169 {strides = array<i32>} : memref<4x512x128xf32, #tpu.memory_space<vmem>>, vector<1x512x128xf32>,
    return
  }
  func.func @transform_0(%arg0: i32) -> (i32, i32, i32) {
    %add3A = arith.constant 0 : i32
    %add3A_0 = arith.addi %arg0, %add3A : i32
    %c0_i32 = arith.constant 0 : i32
    %c0_i32_1 = arith.constant 0 : i32
    %c0_i32_2 = arith.constant 0 : i32
    return %c0_i32, %add3A_0, %c0_i32_1 : i32, i32, i32
  }
  func.func @transform_1(%arg0: i32) -> (i32, i32, i32) {
    %add3A = arith.constant 0 : i32
    %add3A_0 = arith.addi %arg0, %add3A : i32
    %c0_i32 = arith.constant 0 : i32
    %c0_i32_1 = arith.constant 0 : i32
    %c0_i32_2 = arith.constant 0 : i32
    return %c0_i32, %add3A_0, %c0_i32_1 : i32, i32, i32
  }
  func.func @transform_2(%arg0: i32) -> (i32, i32, i32) {
    %add3A = arith.constant 0 : i32
    %add3A_0 = arith.addi %arg0, %add3A : i32
    %c0_i32 = arith.constant 0 : i32
    %c0_i32_1 = arith.constant 0 : i32
    %c0_i32_2 = arith.constant 0 : i32
    return %c0_i32, %add3A_0, %c0_i32_1 : i32, i32, i32
  }
  func.func @transform_3(%arg0: i32) -> (i32, i32, i32) {
    %add3A = arith.constant 0 : i32
    %add3A_0 = arith.addi %arg0, %add3A : i32
    %c0_i32 = arith.constant 0 : i32
    %c0_i32_1 = arith.constant 0 : i32
    %c0_i32_2 = arith.constant 0 : i32
    return %c0_i32, %add3A_0, %c0_i32_1 : i32, i32, i32
  }
  func.func @transform_4(%arg0: i32) -> (i32, i32) {
    %add3A = arith.constant 0 : i32
    %add3A_0 = arith.addi %arg0, %add3A : i32
    %c0_i32 = arith.constant 0 : i32
    %c0_i32_1 = arith.constant 0 : i32
    return %add3A_0, %c0_i32 : i32, i32
  }
  func.func @transform_5(%arg0: i32) -> (i32, i32) {
    %c0_i32 = arith.constant 0 : i32
    %c0_i32_0 = arith.constant 0 : i32
    return %arg0, %c0_i32 : i32, i32
  }
  func.func @transform_6(%arg0: i32) -> (i32, i32, i32) {
    %c0_i32 = arith.constant 0 : i32
    %c0_i32_0 = arith.constant 0 : i32
    %c0_i32_1 = arith.constant 0 : i32
    return %c0_i32, %arg0, %c0_i32_0 : i32, i32, i32
  }
}

</mosaic_0001>

<sc_bundles>
// kernel: kernel.11.cloned.1.call-start
scs
__scs_entry_jumppad:
0x0: {  	(pc) =	sbr.rel $0x88, $3  }
0x1: {  	(tag) =	ssettag $0x0;
	lr =	simm.s32 $0x1  }
0x2: {  	[smem:$0x3F9B] =	sst lr;
	_ =	strace $0xD0000000  }
0x3: {  	_ = 	snop  }
0x4: {  	_ = 	snop  }
0x5: {  	_ = 	snop  }
0x6: {  	_ = 	snop  }
0x7: {  	_ = 	snop  }
__scs_overlays_trampoline_lowered:
0x8: {  	[smem:$0x3FAA] =	sst s0  }
0x9: {  	[smem:$0x3FAB] =	sst s1  }
0xa: {  	[smem:$0x3FAC] =	sst s2  }
0xb: {  	[smem:$0x3FAD] =	sst s3  }
0xc: {  	[smem:$0x3FAE] =	sst s4  }
0xd: {  	[smem:$0x3FAF] =	sst s5  }
0xe: {  	[smem:$0x3FB0] =	sst s6  }
0xf: {  	[smem:$0x3FB1] =	sst s7  }
0x10: {  	[smem:$0x3FB2] =	sst s8  }
0x11: {  	[smem:$0x3FB3] =	sst s9;
	s0 =	simm.s32 @!p0 $0x0  }
0x12: {  	s1 =	sld [smem:$0x3F99];
	s0 =	simm.s32 @p0 $0x1  }
0x13: {  	[smem:$0x3FB4] =	sst s0;
	s0 =	simm.s32 @!p1 $0x0  }
0x14: {  	s2 =	sld [smem:$0x3F98];
	s0 =	simm.s32 @p1 $0x1  }
0x15: {  	[smem:$0x3FB5] =	sst s0;
	s0 =	simm.s32 @!p2 $0x0  }
0x16: {  	s3 =	sld [smem:$0x3FDB];
	s0 =	simm.s32 @p2 $0x1  }
0x17: {  	s4 =	simm.s32 $0x1BF5;
	[smem:$0x3FB7] =	sst s0  }
0x18: {  	s0 =	sld [smem:$0x3F9A];
	_ =	swait.ge [sflag:s4], $0x0  }
0x19: {  	s7 =	sld [smem:$0x3F9B]  }
0x1a: {  	s8 =	sadd.s32 $0xFFFFE003, lr  }
0x1b: {  	s9 =	sadd.s32 $0xFFFFFEF7, lr;
	s5 =	simm.s32 $0xFFFFFFFF;
	p2 =	slt.u32 s8, $0xFFFFF086  }
0x1c: {  	p1 =	slt.u32 s9, $0xF7A;
	s5 =	simm.s32 @!p2 $0x0  }
0x1d: {  	s5 =	simm.s32 @p1 $0x1;
	p0 =	seq.s32 s7, s2  }
0x1e: {  	s7 =	smul.u32 @!p0 $0xF7A, s2;
	p2 =	seq.s32 @!p0 s5, $0x0  }
0x1f: {  	s9 =	smul.u32 $0xF7A, s1;
	s8 =	simm.s32 @!p0 $0x1BF5;
	p2 =	por !p2, p0  }
0x20: {  	[sflag:s8] =	ssyncset.s32 @!p0 $0xFFFFF086;
	s6 =	sadd.s32 @!p0 s3, s7;
	s7 =	simm.s32 @!p0 $0x108  }
0x21: {  	s3 =	sadd.s32 s3, s9;
	s6 =	sadd.s32 @!p0 $0x88, s6;
	s7 =	simm.s32 @p2 $0x1082  }
0x22: {  	[simem:s7], [sflag:s8] =	dma.local @!p0 [hbm:s6], $0xF7A  }
0x23: {  	s9 =	sor.u32 $0xD0000000, s2;
	s6 =	simm.s32 $0x108;
	_ =	swait.ge @!p0 [sflag:s8], $0x0  }
0x24: {  	s3 =	sadd.s32 $0x88, s3;
	s6 =	simm.s32 @!p1 $0x1082;
	[sflag:s4] =	ssyncset.s32 $0xFFFFF086  }
0x25: {  	[simem:s6], [sflag:s4] =	dma.local [hbm:s3], $0xF7A  }
0x26: {  	[smem:$0x3F9B] =	sst s1;
	(tag) =	ssettag s2;
	_ =	strace s9  }
0x27: {  	s1 =	sld [smem:$0x3FAB]  }
0x28: {  	s2 =	sld [smem:$0x3FAC]  }
0x29: {  	s4 =	sld [smem:$0x3FAE]  }
0x2a: {  	p0 =	seq.s32 s5, $0x0;
	s5 =	sld [smem:$0x3FAF]  }
0x2b: {  	s6 =	sld [smem:$0x3FB0]  }
0x2c: {  	s7 =	sld [smem:$0x3FB1]  }
0x2d: {  	s3 =	simm.s32 $0x108;
	s8 =	sld [smem:$0x3FB2]  }
0x2e: {  	s3 =	simm.s32 @!p0 $0x1082;
	s9 =	sld [smem:$0x3FB3]  }
0x2f: {  	lr =	sadd.s32 s0, s3;
	s0 =	sld [smem:$0x3FAA]  }
0x30: {  	s3 =	sld [smem:$0x3FAD]  }
0x31: {  	[smem:$0x3FB6] =	sst s10  }
0x32: {  	s10 =	sld [smem:$0x3FB4];
	_ =	sdelay $0x3  }
0x33: {  	p0 =	seq.s32 s10, $0x1;
	s10 =	sld [smem:$0x3FB6];
	_ =	sdelay $0x3  }
0x34: {  	[smem:$0x3FB6] =	sst s10  }
0x35: {  	s10 =	sld [smem:$0x3FB5];
	_ =	sdelay $0x3  }
0x36: {  	p1 =	seq.s32 s10, $0x1;
	s10 =	sld [smem:$0x3FB6];
	_ =	sdelay $0x3  }
0x37: {  	[smem:$0x3FB6] =	sst s10  }
0x38: {  	s10 =	sld [smem:$0x3FB7]  }
0x39: {  	_ = 	snop;
	(pc) =	sbr.ind lr, $3  }
0x3a: {  	_ = 	snop  }
0x3b: {  	_ = 	snop  }
0x3c: {  	p2 =	seq.s32 s10, $0x1;
	s10 =	sld [smem:$0x3FB6]  }
0x3d: {  	_ =	shalt  }
0x3e: {  	_ =	shalt  }
0x3f: {  	_ =	shalt  }
0x40: {  	_ =	shalt  }
0x41: {  	_ =	shalt  }
0x42: {  	_ =	shalt  }
0x43: {  	_ =	shalt  }
0x44: {  	_ =	shalt  }
0x45: {  	_ =	shalt  }
0x46: {  	_ =	shalt  }
0x47: {  	_ =	shalt  }
0x48: {  	_ =	shalt  }
0x49: {  	_ =	shalt  }
0x4a: {  	_ =	shalt  }
0x4b: {  	_ =	shalt  }
0x4c: {  	_ =	shalt  }
0x4d: {  	_ =	shalt  }
0x4e: {  	_ =	shalt  }
0x4f: {  	_ =	shalt  }
0x50: {  	_ =	shalt  }
0x51: {  	_ =	shalt  }
0x52: {  	_ =	shalt  }
0x53: {  	_ =	shalt  }
0x54: {  	_ =	shalt  }
0x55: {  	_ =	shalt  }
0x56: {  	_ =	shalt  }
0x57: {  	_ =	shalt  }
0x58: {  	_ =	shalt  }
0x59: {  	_ =	shalt  }
0x5a: {  	_ =	shalt  }
0x5b: {  	_ =	shalt  }
0x5c: {  	_ =	shalt  }
0x5d: {  	_ =	shalt  }
0x5e: {  	_ =	shalt  }
0x5f: {  	_ =	shalt  }
0x60: {  	_ =	shalt  }
0x61: {  	_ =	shalt  }
0x62: {  	_ =	shalt  }
0x63: {  	_ =	shalt  }
0x64: {  	_ =	shalt  }
0x65: {  	_ =	shalt  }
0x66: {  	_ =	shalt  }
0x67: {  	_ =	shalt  }
0x68: {  	_ =	shalt  }
0x69: {  	_ =	shalt  }
0x6a: {  	_ =	shalt  }
0x6b: {  	_ =	shalt  }
0x6c: {  	_ =	shalt  }
0x6d: {  	_ =	shalt  }
0x6e: {  	_ =	shalt  }
0x6f: {  	_ =	shalt  }
0x70: {  	_ =	shalt  }
0x71: {  	_ =	shalt  }
0x72: {  	_ =	shalt  }
0x73: {  	_ =	shalt  }
0x74: {  	_ =	shalt  }
0x75: {  	_ =	shalt  }
0x76: {  	_ =	shalt  }
0x77: {  	_ =	shalt  }
0x78: {  	_ =	shalt  }
0x79: {  	_ =	shalt  }
0x7a: {  	_ =	shalt  }
0x7b: {  	_ =	shalt  }
0x7c: {  	_ =	shalt  }
0x7d: {  	_ =	shalt  }
0x7e: {  	_ =	shalt  }
0x7f: {  	_ =	shalt  }
0x80: {  	_ =	shalt  }
0x81: {  	_ =	shalt  }
0x82: {  	_ =	shalt  }
0x83: {  	_ =	shalt  }
0x84: {  	_ =	shalt  }
0x85: {  	_ =	shalt  }
0x86: {  	_ =	shalt  }
0x87: {  	_ =	shalt  }
.Lfunc_end0:
.L_simem_size_0:
called_computation.1_lowered:
.L_overlay_start_0:
0x88: {  	s2 =	sld [smem:$0x3FD9]  }
0x89: {  	s3 =	sld [smem:$0x3FFE];
	_ =	sdelay $0x1  }
0x8a: {  	s1 =	srdreg.scid  }
0x8b: {  	s0 =	sand.u32 $0x1, s1  }
0x8c: {  	s16 =	sshll.u32 s0, $0xA;
	s2 =	sadd.s32 s3, s2  }
0x8d: {  	s2 =	sadd.s32 s2, s16  }
0x8e: {  	[smem:$0x3FC2] =	sst s2  }
0x8f: {  	_ = 	snop  }
0x90: {  	(tm) =	ssettm $0x1  }
0x91: {  	s17 =	sld [smem:$0x3FFB];
	_ =	sdelay $0x3  }
0x92: {  	_ =	strace s17  }
0x93: {  	s2 =	sld [smem:$0x3FFC];
	_ =	sdelay $0x3  }
0x94: {  	_ =	strace s2  }
0x95: {  	s2 =	sld [smem:$0x3FFD];
	_ =	sdelay $0x3  }
0x96: {  	_ =	strace s2  }
0x97: {  	_ =	strace $0x8FFFFFFF  }
0x98: {  	s18 =	sld [smem:$0x3FDB];
	_ =	sdelay $0x1  }
0x99: {  	s19 =	simm.s32 $_scs_section_size  }
0x9a: {  	s4 =	simm.s32 $_size__tile_overlayer_lowered;
	s5 =	simm.s32 $_tile_overlayer_lowered  }
0x9b: {  	s22 =	simm.s32 $0x1BFF;
	s21 =	sshll.u32 s5, $0x1;
	s2 =	sadd.s32 s19, s18  }
0x9c: {  	s6 =	simm.s32 $0x0;
	s20 =	sshll.u32 s4, $0x1;
	s4 =	sadd.s32 s21, s2  }
0x9d: {  	[timem:s6], [sflag:s22] =	dma.local [hbm:s4], s20  }
0x9e: {  	_ =	swait.ge [sflag:s22], s20  }
0x9f: {  	s3 =	ssub.s32 $0x0, s20;
	[sflag:s22] =	ssyncset.done $0x0  }
0xa0: {  	[sflag:s22] =	ssyncadd.s32 s3;
	_ =	sdelay $0x1  }
0xa1: {  	s23 =	simm.s32 $0x1B8B  }
0xa2: {  	_ =	swait.ge [sflag:s23], $0x1  }
0xa3: {  	[sflag:s23] =	ssyncset.done $0x0  }
0xa4: {  	s25 =	simm.s32 $0x1B8E;
	s24 =	sld [smem:$0x3FFE];
	[sflag:s23] =	ssyncadd.s32 $0xFFFFFFFF  }
0xa5: {  	s26 =	simm.s32 $execute0_lowered;
	[smem:$0x3FD2] =	sst s25  }
0xa6: {  	s4 =	sshll.u32 s26, $0x1;
	_ =	strace $0x80000046;
	[dreg:$0x1] =	wrdreg $0xFFFFFFFF  }
0xa7: {  	s28 =	simm.s32 $_size_execute0_lowered;
	s2 =	sadd.s32 s2, s4;
	[dreg:$0x0] =	wrdreg $0x0  }
0xa8: {  	s4 =	sshll.u32 s28, $0x1;
	[dreg:$0x2] =	wrdreg s2  }
0xa9: {  	[dreg:$0x3] =	wrdreg s4  }
0xaa: {  	[dreg:$0x4] =	wrdreg $0xC0  }
0xab: {  	_ =	task [dreg:s6], $0x5FFFF  }
0xac: {  	[dreg:$0x1] =	wrdreg $0xFFFFFFFF  }
0xad: {  	[dreg:$0x0] =	wrdreg $0x60  }
0xae: {  	[dreg:$0x2] =	wrdreg s24  }
0xaf: {  	[dreg:$0x3] =	wrdreg $0xFA800  }
0xb0: {  	[dreg:$0x4] =	wrdreg $0xA  }
0xb1: {  	_ =	task.clear_ibuf [dreg:s6], $0x5FFFF;
	_ =	strace $0x90000046  }
0xb2: {  	s29 =	simm.s32 $0xA;
	_ =	strace $0x80000048  }
0xb3: {  	_ =	swait.ge [sflag:s29], $0x1  }
0xb4: {  	[sflag:s29] =	ssyncadd.s32 $0xFFFFFFFF  }
0xb5: {  	_ =	strace $0x90000048  }
0xb6: {  	_ =	sfence  }
0xb7: {  	s30 =	sld [smem:$0x0];
	_ =	sdelay $0x2  }
0xb8: {  	s31 =	sshll.u32 s1, $0xD;
	s1 =	sshrl.u32 s1, $0x2  }
0xb9: {  	s3 =	sand.u32 $0x4000, s31;
	s1 =	sadd.s32 s1, s30  }
0xba: {  	s0 =	sor.u32 s3, s0;
	s1 =	sshll.u32 s1, $0x11  }
0xbb: {  	s0 =	sor.u32 s1, s0  }
0xbc: {  	s0 =	sadd.s32 $0x8F2B, s0  }
0xbd: {  	[sflag:s0] =	ssyncadd.remote.s32 $0x1  }
0xbe: {  	_ =	sfence.sel $0xFFFF  }
0xbf: {  	[dreg:$0x0] =	wrdreg $0xFFFFFFFF;
	(pc) =	sbr.abs _section_cstart, $3  }
0xc0: {  	[dreg:$0x1] =	wrdreg $0xFFFFFFFF  }
0xc1: {  	_ =	task.clear_ibuf [dreg:s6], $0x2FFFF;
	_ =	strace $0x9FFFFFFF  }
0xc2: {  	(tm) =	ssettm $0x7FFFFFFF  }
0xc3: {  	_ =	shalt  }
tec
execute0_lowered:
.L_overlay_start_1:
0x0: {  	(tag) =	ssettag $0x1  }
0x1: {  	s4 =	rddreg [dreg:$0x0]  }
0x2: {  	s2 =	rddreg [dreg:$0x1]  }
0x3: {  	s0 =	rddreg [dreg:$0x2];
	s3 =	simm.s32 $0x0  }
0x4: {  	s1 =	stileid.u32;
	s5 =	srdreg.scid;
	s10 =	simm.s32 $0x3  }
0x5: {  	s11 =	simm.s32 $0x2;
	s12 =	simm.s32 $0x80;
	s13 =	simm.s32 $0x1  }
0x6: {  	s14 =	simm.s32 $0x4000;
	s15 =	simm.s32 $0x0;
	[smem:$0x7FF] =	sst s3  }
0x7: {  	s6 =	smul.u32 $0x7A18, s1;
	s5 =	sand.u32 $0x1, s5;
	s7 =	sshll.u32 s1, $0xC  }
0x8: {  	_ =	strace $0x80000047;
	s8 =	sshll.u32 s5, $0xB;
	s5 =	ssub.s32 $0x2, s5  }
0x9: {  	s9 =	sshrl.u32 s6, $0x3;
	s7 =	sor.u32 s8, s7;
	s31 =	sshrl.u32 s5, $0x1  }
0xa: {  	s6 =	sadd.s32 s6, s2;
	s9 =	sadd.s32 s9, s4;
	s7 =	sadd.s32 s7, s4  }
0xb: {  	s8 =	ssub.s32 s5, s31;
	s4 =	sadd.s32 $0x42C00, s7;
	s5 =	sadd.s32 $0x52C00, s9  }
0xc: {  	s7 =	sadd.s32 $0x62200, s7;
	s8 =	smax.u32 s8, $0x1;
	s9 =	simm.s32 $0x8000  }
.LBB2_1:
0xd: {  	[tilespmem:s3], [sflag:$0x2] =	stream.linear.gather [hbm4b:s4+s3], $0x4000, $0x38;
	[tilespmem:$0x17498] =	vst v63  }
0xe: {  	_ = 	snop  }
0xf: {  	[tilespmem:s9], [sflag:$0x3] =	stream.linear.gather [hbm4b:s5+s3], $0x7A18, $0x38;
	[tilespmem:$0x17498] =	vst v63  }
0x10: {  	_ =	swait.ge [sflag:s10], $0x7A18  }
0x11: {  	[sflag:s10] =	ssyncset.done $0x0  }
0x12: {  	[sflag:s10] =	ssyncadd.s32 $0xFFFF85E8  }
0x13: {  	[spmem:s6] =	stream.linear.scatter [tilespmem:s9], [sflag:$0x3], $0x7A18, $0x38;
	[tilespmem:$0x17498] =	vst v63  }
0x14: {  	_ =	swait.ge [sflag:s10], $0x7A18  }
0x15: {  	[sflag:s10] =	ssyncset.done $0x0  }
0x16: {  	[sflag:s10] =	ssyncadd.s32 $0xFFFF85E8  }
0x17: {  	_ =	swait.ge [sflag:s11], $0x4000  }
0x18: {  	[sflag:s11] =	ssyncset.done $0x0  }
0x19: {  	s16 =	simm.s32 $0x200;
	[sflag:s11] =	ssyncadd.s32 $0xFFFFC000  }
0x1a: {  	s17 =	simm.s32 $0x0;
	s18 =	simm.s32 $0x4000;
	[bflag:$0x0] =	sbarrier.arrive $0xFFFF  }
.LBB2_2:
0x1b: {  	[tilespmem:s18], [sflag:$0x1] =	stream.indirect.gather [spmem:s2], $0x1, s17, s12, $0xb8;
	[tilespmem:$0x17498] =	vst v63  }
0x1c: {  	s17 =	smov.u32 s16;
	p0 =	sne.s32 s16, $0xFE00  }
.Ltmp0:
0x1d: {  	s16 =	sadd.s32 $0x200, s16;
	(pc) =	sbr.rel @p0 .LBB2_2-.Ltmp0, $3  }
0x1e: {  	_ =	sdelay $0x1  }
0x1f: {  	s17 =	sshra.s32 s17, $0x2  }
0x20: {  	s18 =	sadd.s32 $0x4000, s17  }
0x21: {  	[tilespmem:s18], [sflag:$0x1] =	stream.indirect.gather [spmem:s2], $0x1, s17, s12, $0xb8;
	[tilespmem:$0x17498] =	vst v63  }
0x22: {  	s15 =	sadd.s32 $0x1, s15;
	_ =	swait.ge [sflag:s13], $0x4000  }
0x23: {  	p0 =	sne.s32 s15, s8;
	[sflag:s13] =	ssyncset.done $0x0  }
.Ltmp1:
0x24: {  	[sflag:s13] =	ssyncadd.s32 $0xFFFFC000;
	(pc) =	sbr.rel @p0 .LBB2_1-.Ltmp1, $4  }
0x25: {  	[hbm4b:s7+s3] =	stream.linear.scatter [tilespmem:s14], [sflag:$0x3], $0x4000, $0x38;
	[tilespmem:$0x17498] =	vst v63  }
0x26: {  	_ =	swait.ge [sflag:s10], $0x4000  }
0x27: {  	[sflag:s10] =	ssyncset.done $0x0  }
0x28: {  	[sflag:s10] =	ssyncadd.s32 $0xFFFFC000  }
0x29: {  	_ =	sfence.sel $0x180000  }
0x2a: {  	[bflag:$0x0] =	sbarrier.arrive $0xFFFF  }
0x2b: {  	p0 =	sne.s32 s1, $0x0;
	_ =	strace $0x90000047  }
0x2c: {  	s0 =	sadd.s32 @!p0 $0x100000, s0;
	[bflag:$0x2] =	sbarrier.arrive $0xFFFF  }
0x2d: {  	[sflag:s0] =	ssyncadd.tile.s32 @!p0 $0x1;
	_ =	shalt  }
.Lfunc_end2:
_tile_overlayer_lowered:
.L_overlay_start_2:
0x2e: {  	(tag) =	ssettag $0x2  }
0x2f: {  	s0 =	rddreg [dreg:$0x0];
	s2 =	stileid.u32  }
0x30: {  	s1 =	rddreg [dreg:$0x1];
	p0 =	sne.s32 s2, $0x0  }
0x31: {  	s3 =	rddreg [dreg:$0x2];
	[bflag:$0x3] =	sbarrier.arrive $0xFFFF;
	s2 =	simm.s32 @!p0 $0x1C03  }
0x32: {  	[timem:s3], [sflag:s2] =	dma.local @!p0 [hbm:s0], s1  }
0x33: {  	s0 =	simm.s32 @!p0 $0x3  }
0x34: {  	_ =	swait.ge @!p0 [sflag:s0], s1  }
0x35: {  	s1 =	ssub.s32 @!p0 $0x0, s1;
	[sflag:s0] =	ssyncset.done @!p0 $0x0  }
0x36: {  	[sflag:s0] =	ssyncadd.s32 @!p0 s1  }
0x37: {  	[bflag:$0x3] =	sbarrier.arrive $0xFFFF  }
0x38: {  	_ =	shalt  }

// kernel: kernel.8.cloned.1.call-start
scs
__scs_entry_jumppad:
0x0: {  	(pc) =	sbr.rel $0x88, $3  }
0x1: {  	(tag) =	ssettag $0x0;
	lr =	simm.s32 $0x1  }
0x2: {  	[smem:$0x3F9B] =	sst lr;
	_ =	strace $0xD0000000  }
0x3: {  	_ = 	snop  }
0x4: {  	_ = 	snop  }
0x5: {  	_ = 	snop  }
0x6: {  	_ = 	snop  }
0x7: {  	_ = 	snop  }
__scs_overlays_trampoline_lowered:
0x8: {  	[smem:$0x3FAA] =	sst s0  }
0x9: {  	[smem:$0x3FAB] =	sst s1  }
0xa: {  	[smem:$0x3FAC] =	sst s2  }
0xb: {  	[smem:$0x3FAD] =	sst s3  }
0xc: {  	[smem:$0x3FAE] =	sst s4  }
0xd: {  	[smem:$0x3FAF] =	sst s5  }
0xe: {  	[smem:$0x3FB0] =	sst s6  }
0xf: {  	[smem:$0x3FB1] =	sst s7  }
0x10: {  	[smem:$0x3FB2] =	sst s8  }
0x11: {  	[smem:$0x3FB3] =	sst s9;
	s0 =	simm.s32 @!p0 $0x0  }
0x12: {  	s1 =	sld [smem:$0x3F99];
	s0 =	simm.s32 @p0 $0x1  }
0x13: {  	[smem:$0x3FB4] =	sst s0;
	s0 =	simm.s32 @!p1 $0x0  }
0x14: {  	s2 =	sld [smem:$0x3F98];
	s0 =	simm.s32 @p1 $0x1  }
0x15: {  	[smem:$0x3FB5] =	sst s0;
	s0 =	simm.s32 @!p2 $0x0  }
0x16: {  	s3 =	sld [smem:$0x3FDB];
	s0 =	simm.s32 @p2 $0x1  }
0x17: {  	s4 =	simm.s32 $0x1BF5;
	[smem:$0x3FB7] =	sst s0  }
0x18: {  	s0 =	sld [smem:$0x3F9A];
	_ =	swait.ge [sflag:s4], $0x0  }
0x19: {  	s7 =	sld [smem:$0x3F9B]  }
0x1a: {  	s8 =	sadd.s32 $0xFFFFE003, lr  }
0x1b: {  	s9 =	sadd.s32 $0xFFFFFEF7, lr;
	s5 =	simm.s32 $0xFFFFFFFF;
	p2 =	slt.u32 s8, $0xFFFFF086  }
0x1c: {  	p1 =	slt.u32 s9, $0xF7A;
	s5 =	simm.s32 @!p2 $0x0  }
0x1d: {  	s5 =	simm.s32 @p1 $0x1;
	p0 =	seq.s32 s7, s2  }
0x1e: {  	s7 =	smul.u32 @!p0 $0xF7A, s2;
	p2 =	seq.s32 @!p0 s5, $0x0  }
0x1f: {  	s9 =	smul.u32 $0xF7A, s1;
	s8 =	simm.s32 @!p0 $0x1BF5;
	p2 =	por !p2, p0  }
0x20: {  	[sflag:s8] =	ssyncset.s32 @!p0 $0xFFFFF086;
	s6 =	sadd.s32 @!p0 s3, s7;
	s7 =	simm.s32 @!p0 $0x108  }
0x21: {  	s3 =	sadd.s32 s3, s9;
	s6 =	sadd.s32 @!p0 $0x88, s6;
	s7 =	simm.s32 @p2 $0x1082  }
0x22: {  	[simem:s7], [sflag:s8] =	dma.local @!p0 [hbm:s6], $0xF7A  }
0x23: {  	s9 =	sor.u32 $0xD0000000, s2;
	s6 =	simm.s32 $0x108;
	_ =	swait.ge @!p0 [sflag:s8], $0x0  }
0x24: {  	s3 =	sadd.s32 $0x88, s3;
	s6 =	simm.s32 @!p1 $0x1082;
	[sflag:s4] =	ssyncset.s32 $0xFFFFF086  }
0x25: {  	[simem:s6], [sflag:s4] =	dma.local [hbm:s3], $0xF7A  }
0x26: {  	[smem:$0x3F9B] =	sst s1;
	(tag) =	ssettag s2;
	_ =	strace s9  }
0x27: {  	s1 =	sld [smem:$0x3FAB]  }
0x28: {  	s2 =	sld [smem:$0x3FAC]  }
0x29: {  	s4 =	sld [smem:$0x3FAE]  }
0x2a: {  	p0 =	seq.s32 s5, $0x0;
	s5 =	sld [smem:$0x3FAF]  }
0x2b: {  	s6 =	sld [smem:$0x3FB0]  }
0x2c: {  	s7 =	sld [smem:$0x3FB1]  }
0x2d: {  	s3 =	simm.s32 $0x108;
	s8 =	sld [smem:$0x3FB2]  }
0x2e: {  	s3 =	simm.s32 @!p0 $0x1082;
	s9 =	sld [smem:$0x3FB3]  }
0x2f: {  	lr =	sadd.s32 s0, s3;
	s0 =	sld [smem:$0x3FAA]  }
0x30: {  	s3 =	sld [smem:$0x3FAD]  }
0x31: {  	[smem:$0x3FB6] =	sst s10  }
0x32: {  	s10 =	sld [smem:$0x3FB4];
	_ =	sdelay $0x3  }
0x33: {  	p0 =	seq.s32 s10, $0x1;
	s10 =	sld [smem:$0x3FB6];
	_ =	sdelay $0x3  }
0x34: {  	[smem:$0x3FB6] =	sst s10  }
0x35: {  	s10 =	sld [smem:$0x3FB5];
	_ =	sdelay $0x3  }
0x36: {  	p1 =	seq.s32 s10, $0x1;
	s10 =	sld [smem:$0x3FB6];
	_ =	sdelay $0x3  }
0x37: {  	[smem:$0x3FB6] =	sst s10  }
0x38: {  	s10 =	sld [smem:$0x3FB7]  }
0x39: {  	_ = 	snop;
	(pc) =	sbr.ind lr, $3  }
0x3a: {  	_ = 	snop  }
0x3b: {  	_ = 	snop  }
0x3c: {  	p2 =	seq.s32 s10, $0x1;
	s10 =	sld [smem:$0x3FB6]  }
0x3d: {  	_ =	shalt  }
0x3e: {  	_ =	shalt  }
0x3f: {  	_ =	shalt  }
0x40: {  	_ =	shalt  }
0x41: {  	_ =	shalt  }
0x42: {  	_ =	shalt  }
0x43: {  	_ =	shalt  }
0x44: {  	_ =	shalt  }
0x45: {  	_ =	shalt  }
0x46: {  	_ =	shalt  }
0x47: {  	_ =	shalt  }
0x48: {  	_ =	shalt  }
0x49: {  	_ =	shalt  }
0x4a: {  	_ =	shalt  }
0x4b: {  	_ =	shalt  }
0x4c: {  	_ =	shalt  }
0x4d: {  	_ =	shalt  }
0x4e: {  	_ =	shalt  }
0x4f: {  	_ =	shalt  }
0x50: {  	_ =	shalt  }
0x51: {  	_ =	shalt  }
0x52: {  	_ =	shalt  }
0x53: {  	_ =	shalt  }
0x54: {  	_ =	shalt  }
0x55: {  	_ =	shalt  }
0x56: {  	_ =	shalt  }
0x57: {  	_ =	shalt  }
0x58: {  	_ =	shalt  }
0x59: {  	_ =	shalt  }
0x5a: {  	_ =	shalt  }
0x5b: {  	_ =	shalt  }
0x5c: {  	_ =	shalt  }
0x5d: {  	_ =	shalt  }
0x5e: {  	_ =	shalt  }
0x5f: {  	_ =	shalt  }
0x60: {  	_ =	shalt  }
0x61: {  	_ =	shalt  }
0x62: {  	_ =	shalt  }
0x63: {  	_ =	shalt  }
0x64: {  	_ =	shalt  }
0x65: {  	_ =	shalt  }
0x66: {  	_ =	shalt  }
0x67: {  	_ =	shalt  }
0x68: {  	_ =	shalt  }
0x69: {  	_ =	shalt  }
0x6a: {  	_ =	shalt  }
0x6b: {  	_ =	shalt  }
0x6c: {  	_ =	shalt  }
0x6d: {  	_ =	shalt  }
0x6e: {  	_ =	shalt  }
0x6f: {  	_ =	shalt  }
0x70: {  	_ =	shalt  }
0x71: {  	_ =	shalt  }
0x72: {  	_ =	shalt  }
0x73: {  	_ =	shalt  }
0x74: {  	_ =	shalt  }
0x75: {  	_ =	shalt  }
0x76: {  	_ =	shalt  }
0x77: {  	_ =	shalt  }
0x78: {  	_ =	shalt  }
0x79: {  	_ =	shalt  }
0x7a: {  	_ =	shalt  }
0x7b: {  	_ =	shalt  }
0x7c: {  	_ =	shalt  }
0x7d: {  	_ =	shalt  }
0x7e: {  	_ =	shalt  }
0x7f: {  	_ =	shalt  }
0x80: {  	_ =	shalt  }
0x81: {  	_ =	shalt  }
0x82: {  	_ =	shalt  }
0x83: {  	_ =	shalt  }
0x84: {  	_ =	shalt  }
0x85: {  	_ =	shalt  }
0x86: {  	_ =	shalt  }
0x87: {  	_ =	shalt  }
.Lfunc_end0:
.L_simem_size_0:
called_computation_lowered:
.L_overlay_start_0:
0x88: {  	s2 =	sld [smem:$0x3FD9]  }
0x89: {  	s3 =	sld [smem:$0x3FFE];
	_ =	sdelay $0x1  }
0x8a: {  	s1 =	srdreg.scid  }
0x8b: {  	s0 =	sand.u32 $0x1, s1  }
0x8c: {  	s17 =	sshll.u32 s0, $0xA;
	s2 =	sadd.s32 s3, s2  }
0x8d: {  	s2 =	sadd.s32 s2, s17  }
0x8e: {  	[smem:$0x3FC2] =	sst s2  }
0x8f: {  	_ = 	snop  }
0x90: {  	(tm) =	ssettm $0x1  }
0x91: {  	s18 =	sld [smem:$0x3FFB];
	_ =	sdelay $0x3  }
0x92: {  	_ =	strace s18  }
0x93: {  	s2 =	sld [smem:$0x3FFC];
	_ =	sdelay $0x3  }
0x94: {  	_ =	strace s2  }
0x95: {  	s2 =	sld [smem:$0x3FFD];
	_ =	sdelay $0x3  }
0x96: {  	_ =	strace s2  }
0x97: {  	_ =	strace $0x8FFFFFFF  }
0x98: {  	s19 =	sld [smem:$0x3FDB];
	_ =	sdelay $0x1  }
0x99: {  	s20 =	simm.s32 $_scs_section_size  }
0x9a: {  	s4 =	simm.s32 $_size__tile_overlayer_lowered;
	s5 =	simm.s32 $_tile_overlayer_lowered  }
0x9b: {  	s6 =	simm.s32 $0x1BFF;
	s21 =	sshll.u32 s5, $0x1;
	s3 =	sadd.s32 s20, s19  }
0x9c: {  	s22 =	simm.s32 $0x0;
	s4 =	sshll.u32 s4, $0x1;
	s5 =	sadd.s32 s21, s3  }
0x9d: {  	[timem:s22], [sflag:s6] =	dma.local [hbm:s5], s4  }
0x9e: {  	_ =	swait.ge [sflag:s6], s4  }
0x9f: {  	s4 =	ssub.s32 $0x0, s4;
	[sflag:s6] =	ssyncset.done $0x0  }
0xa0: {  	[sflag:s6] =	ssyncadd.s32 s4;
	_ =	sdelay $0x1  }
0xa1: {  	s23 =	simm.s32 $0x1B8B  }
0xa2: {  	_ =	swait.ge [sflag:s23], $0x1  }
0xa3: {  	[sflag:s23] =	ssyncset.done $0x0  }
0xa4: {  	[sflag:s23] =	ssyncadd.s32 $0xFFFFFFFF  }
0xa5: {  	s4 =	sld [smem:$0x0]  }
0xa6: {  	s5 =	sand.u32 $0xFFFFFFFE, s1  }
0xa7: {  	p0 =	sne.s32 s1, s5  }
0xa8: {  	s5 =	sshll.u32 @p0 s5, $0xE  }
0xa9: {  	s5 =	sadd.s32 @p0 $0x11B8D, s5;
	s6 =	sshll.u32 @p0 s4, $0x11  }
0xaa: {  	s5 =	sor.u32 @p0 s6, s5  }
0xab: {  	[sflag:s5] =	ssyncadd.remote.s32 @p0 $0x1;
	_ =	sdelay $0x1  }
0xac: {  	s5 =	simm.s32 @p0 $0x1B8D  }
0xad: {  	_ =	swait.eq @p0 [sflag:s5], $0x1  }
0xae: {  	[sflag:s5] =	ssyncadd.s32 @p0 $0xFFFFFFFF  }
0xaf: {  	s6 =	sshll.u32 @!p0 s1, $0xE  }
0xb0: {  	s6 =	sor.u32 @!p0 $0x4000, s6;
	s5 =	simm.s32 @!p0 $0x1B8D  }
0xb1: {  	s4 =	sshll.u32 @!p0 s4, $0x11;
	s6 =	sadd.s32 @!p0 $0x11B8D, s6;
	_ =	swait.eq @!p0 [sflag:s5], $0x1  }
0xb2: {  	s4 =	sor.u32 @!p0 s4, s6;
	[sflag:s5] =	ssyncadd.s32 @!p0 $0xFFFFFFFF  }
0xb3: {  	s25 =	simm.s32 $0x1B8E;
	s24 =	sld [smem:$0x3FFE];
	[sflag:s4] =	ssyncadd.remote.s32 @!p0 $0x1  }
0xb4: {  	s26 =	simm.s32 $execute0_lowered;
	[smem:$0x3FD2] =	sst s25  }
0xb5: {  	s5 =	sshll.u32 s26, $0x1;
	_ =	strace $0x80000049;
	[dreg:$0x1] =	wrdreg $0xFFFFFFFF  }
0xb6: {  	s28 =	simm.s32 $_size_execute0_lowered;
	s3 =	sadd.s32 s3, s5;
	[dreg:$0x0] =	wrdreg $0x0  }
0xb7: {  	s5 =	sshll.u32 s28, $0x1;
	[dreg:$0x2] =	wrdreg s3  }
0xb8: {  	[dreg:$0x3] =	wrdreg s5  }
0xb9: {  	[dreg:$0x4] =	wrdreg $0xC0  }
0xba: {  	_ =	task [dreg:s22], $0x5FFFF  }
0xbb: {  	[dreg:$0x1] =	wrdreg $0xFFFFFFFF  }
0xbc: {  	[dreg:$0x0] =	wrdreg $0x60  }
0xbd: {  	[dreg:$0x2] =	wrdreg s24  }
0xbe: {  	[dreg:$0x3] =	wrdreg $0xFA800  }
0xbf: {  	[dreg:$0x4] =	wrdreg $0x9  }
0xc0: {  	_ =	task.clear_ibuf [dreg:s22], $0x5FFFF;
	_ =	strace $0x90000049  }
0xc1: {  	s29 =	simm.s32 $0x9;
	_ =	strace $0x8000004B  }
0xc2: {  	_ =	swait.ge [sflag:s29], $0x1  }
0xc3: {  	[sflag:s29] =	ssyncadd.s32 $0xFFFFFFFF  }
0xc4: {  	_ =	strace $0x9000004B  }
0xc5: {  	_ =	sfence  }
0xc6: {  	s30 =	sld [smem:$0x0];
	_ =	sdelay $0x2  }
0xc7: {  	s31 =	sshll.u32 s1, $0xD;
	s1 =	sshrl.u32 s1, $0x2  }
0xc8: {  	s4 =	sand.u32 $0x4000, s31;
	s1 =	sadd.s32 s1, s30  }
0xc9: {  	s0 =	sor.u32 s4, s0;
	s1 =	sshll.u32 s1, $0x11  }
0xca: {  	s0 =	sor.u32 s1, s0  }
0xcb: {  	s0 =	sadd.s32 $0x8F2B, s0  }
0xcc: {  	[sflag:s0] =	ssyncadd.remote.s32 $0x1  }
0xcd: {  	_ =	sfence.sel $0xFFFF  }
0xce: {  	[dreg:$0x0] =	wrdreg $0xFFFFFFFF;
	(pc) =	sbr.abs _section_cstart, $3  }
0xcf: {  	[dreg:$0x1] =	wrdreg $0xFFFFFFFF  }
0xd0: {  	_ =	task.clear_ibuf [dreg:s22], $0x2FFFF;
	_ =	strace $0x9FFFFFFF  }
0xd1: {  	(tm) =	ssettm $0x7FFFFFFF  }
tec
execute0_lowered:
.L_overlay_start_1:
0x0: {  	(tag) =	ssettag $0x1  }
0x1: {  	s4 =	rddreg [dreg:$0x0]  }
0x2: {  	s2 =	rddreg [dreg:$0x1]  }
0x3: {  	s0 =	rddreg [dreg:$0x2];
	s3 =	simm.s32 $0x0  }
0x4: {  	s1 =	stileid.u32;
	s5 =	srdreg.scid;
	s10 =	simm.s32 $0x3  }
0x5: {  	s11 =	simm.s32 $0x2;
	s12 =	simm.s32 $0x80;
	s13 =	simm.s32 $0x1  }
0x6: {  	s14 =	simm.s32 $0x4000;
	s15 =	simm.s32 $0x0;
	[smem:$0x7FF] =	sst s3  }
0x7: {  	s6 =	smul.u32 $0x7A18, s1;
	s5 =	sand.u32 $0x1, s5;
	s7 =	sshll.u32 s1, $0xC  }
0x8: {  	_ =	strace $0x8000004A;
	s8 =	sshll.u32 s5, $0xB;
	s5 =	ssub.s32 $0x2, s5  }
0x9: {  	s9 =	sshrl.u32 s6, $0x3;
	s7 =	sor.u32 s8, s7;
	s31 =	sshrl.u32 s5, $0x1  }
0xa: {  	s6 =	sadd.s32 s6, s2;
	s9 =	sadd.s32 s9, s4;
	s7 =	sadd.s32 s7, s4  }
0xb: {  	s8 =	ssub.s32 s5, s31;
	s4 =	sadd.s32 $0x72200, s7;
	s5 =	sadd.s32 $0x52C00, s9  }
0xc: {  	s7 =	sadd.s32 $0x82200, s7;
	s8 =	smax.u32 s8, $0x1;
	s9 =	simm.s32 $0x8000  }
.LBB2_1:
0xd: {  	[tilespmem:s3], [sflag:$0x2] =	stream.linear.gather [hbm4b:s4+s3], $0x4000, $0x38;
	[tilespmem:$0x17498] =	vst v63  }
0xe: {  	_ = 	snop  }
0xf: {  	[tilespmem:s9], [sflag:$0x3] =	stream.linear.gather [hbm4b:s5+s3], $0x7A18, $0x38;
	[tilespmem:$0x17498] =	vst v63  }
0x10: {  	_ =	swait.ge [sflag:s10], $0x7A18  }
0x11: {  	[sflag:s10] =	ssyncset.done $0x0  }
0x12: {  	[sflag:s10] =	ssyncadd.s32 $0xFFFF85E8  }
0x13: {  	[spmem:s6] =	stream.linear.scatter [tilespmem:s9], [sflag:$0x3], $0x7A18, $0x38;
	[tilespmem:$0x17498] =	vst v63  }
0x14: {  	_ =	swait.ge [sflag:s10], $0x7A18  }
0x15: {  	[sflag:s10] =	ssyncset.done $0x0  }
0x16: {  	[sflag:s10] =	ssyncadd.s32 $0xFFFF85E8  }
0x17: {  	_ =	swait.ge [sflag:s11], $0x4000  }
0x18: {  	[sflag:s11] =	ssyncset.done $0x0  }
0x19: {  	s16 =	simm.s32 $0x200;
	[sflag:s11] =	ssyncadd.s32 $0xFFFFC000  }
0x1a: {  	s17 =	simm.s32 $0x0;
	s18 =	simm.s32 $0x4000;
	[bflag:$0x0] =	sbarrier.arrive $0xFFFF  }
.LBB2_2:
0x1b: {  	[tilespmem:s18], [sflag:$0x1] =	stream.indirect.gather [spmem:s2], $0x1, s17, s12, $0xb8;
	[tilespmem:$0x17498] =	vst v63  }
0x1c: {  	s17 =	smov.u32 s16;
	p0 =	sne.s32 s16, $0xFE00  }
.Ltmp0:
0x1d: {  	s16 =	sadd.s32 $0x200, s16;
	(pc) =	sbr.rel @p0 .LBB2_2-.Ltmp0, $3  }
0x1e: {  	_ =	sdelay $0x1  }
0x1f: {  	s17 =	sshra.s32 s17, $0x2  }
0x20: {  	s18 =	sadd.s32 $0x4000, s17  }
0x21: {  	[tilespmem:s18], [sflag:$0x1] =	stream.indirect.gather [spmem:s2], $0x1, s17, s12, $0xb8;
	[tilespmem:$0x17498] =	vst v63  }
0x22: {  	s15 =	sadd.s32 $0x1, s15;
	_ =	swait.ge [sflag:s13], $0x4000  }
0x23: {  	p0 =	sne.s32 s15, s8;
	[sflag:s13] =	ssyncset.done $0x0  }
.Ltmp1:
0x24: {  	[sflag:s13] =	ssyncadd.s32 $0xFFFFC000;
	(pc) =	sbr.rel @p0 .LBB2_1-.Ltmp1, $4  }
0x25: {  	[hbm4b:s7+s3] =	stream.linear.scatter [tilespmem:s14], [sflag:$0x3], $0x4000, $0x38;
	[tilespmem:$0x17498] =	vst v63  }
0x26: {  	_ =	swait.ge [sflag:s10], $0x4000  }
0x27: {  	[sflag:s10] =	ssyncset.done $0x0  }
0x28: {  	[sflag:s10] =	ssyncadd.s32 $0xFFFFC000  }
0x29: {  	_ =	sfence.sel $0x180000  }
0x2a: {  	[bflag:$0x0] =	sbarrier.arrive $0xFFFF  }
0x2b: {  	p0 =	sne.s32 s1, $0x0;
	_ =	strace $0x9000004A  }
0x2c: {  	s0 =	sadd.s32 @!p0 $0x100000, s0;
	[bflag:$0x2] =	sbarrier.arrive $0xFFFF  }
0x2d: {  	[sflag:s0] =	ssyncadd.tile.s32 @!p0 $0x1;
	_ =	shalt  }
.Lfunc_end2:
_tile_overlayer_lowered:
.L_overlay_start_2:
0x2e: {  	(tag) =	ssettag $0x2  }
0x2f: {  	s0 =	rddreg [dreg:$0x0];
	s2 =	stileid.u32  }
0x30: {  	s1 =	rddreg [dreg:$0x1];
	p0 =	sne.s32 s2, $0x0  }
0x31: {  	s3 =	rddreg [dreg:$0x2];
	[bflag:$0x3] =	sbarrier.arrive $0xFFFF;
	s2 =	simm.s32 @!p0 $0x1C03  }
0x32: {  	[timem:s3], [sflag:s2] =	dma.local @!p0 [hbm:s0], s1  }
0x33: {  	s0 =	simm.s32 @!p0 $0x3  }
0x34: {  	_ =	swait.ge @!p0 [sflag:s0], s1  }
0x35: {  	s1 =	ssub.s32 @!p0 $0x0, s1;
	[sflag:s0] =	ssyncset.done @!p0 $0x0  }
0x36: {  	[sflag:s0] =	ssyncadd.s32 @!p0 s1  }
0x37: {  	[bflag:$0x3] =	sbarrier.arrive $0xFFFF  }
0x38: {  	_ =	shalt  }

</sc_bundles>
